<compile_context>
chip_gen: v7x
topology: tpu7x:2x2x1
jax: 0.10.2.dev20260603
libtpu: 0.0.44.dev20260713+nightly
codegen_flags: <defaults>
</compile_context>

<pallas_src>
import jax
import jax.numpy as jnp
from jax import lax
from jax.experimental import pallas as pl
from jax.experimental.pallas import tpu as pltpu
from jax.experimental.pallas import tpu_sc as plsc

_B = 25
_N = 25
_SS = 25
_S = 5
_CW = 80 // _S
_NP = _B * _N
_HALF = 20
_T0 = 1920
_BUF = 2560


def _sq(x):
    return x * x


def _body(buf_hbm, out_hbm, buf_v, col_v, out_v, sem):
    wid = lax.axis_index("c") * 16 + lax.axis_index("s")

    @pl.when(wid == 0)
    def _():
        cp = pltpu.async_copy(buf_hbm, buf_v, sem)
        lane = lax.broadcasted_iota(jnp.int32, (16,), 0)
        zero16 = jnp.zeros((16,), jnp.float32)
        col_v[pl.ds(0, 16)] = zero16
        col_v[pl.ds(16, 16)] = zero16
        col_v[pl.ds(32, 16)] = zero16
        col_v[pl.ds(48, 16)] = zero16
        cp.wait()

        def coords_at(idx):
            tp = plsc.load_gather(buf_v, [_T0 + idx])
            return (tp >> 8) + 14, (tp & 255) + 14

        def fgather(idx):
            return plsc.bitcast(plsc.load_gather(buf_v, [idx]), jnp.float32)

        def items(p, masked):
            pp = jnp.minimum(p, _NP - 1) if masked else p
            b = pp // _N
            a, bb = coords_at(pp)
            tx = (a % _CW).astype(jnp.float32) * (_S / 80.0)
            ty = (bb % _CW).astype(jnp.float32) * (_S / 80.0)
            cell = (a // _CW) * _S + (bb // _CW)
            cbase = b * 75 + 3 * cell
            px = fgather(cbase + 1)
            py = fgather(cbase + 2)
            conf = fgather(3 * pp)
            dval = _sq(px - tx) + _sq(py - ty)
            csq = 0.5 * conf * conf
            if masked:
                valid = p < _NP
                dval = jnp.where(valid, dval, 0.0)
                csq = jnp.where(valid, csq, 0.0)
            return dval, csq

        def chunk(i, accs):
            acc_a, acc_b = accs
            p_a = i * 16 + lane
            p_b = (_HALF + i) * 16 + lane
            dval_a, csq_a = items(p_a, masked=False)
            dval_b, csq_b = items(p_b, masked=True)
            plsc.addupdate_scatter(col_v, [p_a % _N], dval_a)
            plsc.addupdate_scatter(col_v, [p_b % _N + 32], dval_b)
            return acc_a + csq_a, acc_b + csq_b

        acc_a, acc_b = lax.fori_loop(0, _HALF, chunk, (zero16, zero16))
        conf_sum = jnp.sum(acc_a + acc_b)

        r0 = lane
        r1 = jnp.minimum(lane + 16, _B - 1)
        valid1 = (lane + 16) < _B

        def cell_at(rv, j):
            a, bb = coords_at(rv * _N + j)
            return (a // _CW) * _S + (bb // _CW)

        c00 = cell_at(r0, 0)
        c10 = cell_at(r1, 0)

        def jstep(j, carry):
            mn0, mx0, mn1, mx1 = carry
            ca = cell_at(r0, j)
            cb = cell_at(r1, j)
            return (jnp.minimum(mn0, ca), jnp.maximum(mx0, ca),
                    jnp.minimum(mn1, cb), jnp.maximum(mx1, cb))

        mn0, mx0, mn1, mx1 = lax.fori_loop(1, _N, jstep, (c00, c00, c10, c10))

        def corr(rv, mn, mx, vmask):
            base = rv * 75 + 3 * mn
            conf0 = fgather(base)
            px0 = fgather(base + 1)
            py0 = fgather(base + 2)
            a24, b24 = coords_at(rv * _N + (_N - 1))
            txs = (a24 % _CW).astype(jnp.float32)
            tys = (b24 % _CW).astype(jnp.float32)
            dx = jnp.abs(px0 * 16.0 - txs)
            dy = jnp.abs(py0 * 16.0 - tys)
            x1 = jnp.maximum(28.0 - 2.0 * dx, 0.0)
            y1 = jnp.maximum(28.0 - 2.0 * dy, 0.0)
            iou = (x1 * y1) / ((28.0 + dx) * (28.0 + dy))
            cval = _sq(conf0 - iou) - 0.5 * conf0 * conf0
            cval = jnp.where(mn == mx, cval, 0.0)
            return jnp.where(vmask, cval, 0.0)

        csum = jnp.sum(corr(r0, mn0, mx0, lane < _B)
                       + corr(r1, mn1, mx1, valid1))

        p_mean = (conf_sum + csum) * (1.0 / float(_B * _SS))
        out_v[pl.ds(0, 16)] = (col_v[pl.ds(0, 16)] + col_v[pl.ds(32, 16)]) \
            * (5.0 / _B) + p_mean
        out_v[pl.ds(16, 16)] = (col_v[pl.ds(16, 16)] + col_v[pl.ds(48, 16)]) \
            * (5.0 / _B) + p_mean
        pltpu.sync_copy(out_v, out_hbm)


def kernel(pred, truth, S=5):
    pred_flat = jnp.pad(pred.reshape(-1), (0, _T0 - _B * 75))
    packed = (truth[:, :, 0] * 256 + truth[:, :, 1]).reshape(-1)
    packed = jnp.pad(packed, (0, _BUF - _T0 - _NP)).astype(jnp.int32)
    buf = jnp.concatenate(
        [lax.bitcast_convert_type(pred_flat, jnp.int32), packed])
    mesh = plsc.VectorSubcoreMesh(core_axis_name="c", subcore_axis_name="s",
                                  num_cores=1)
    out = pl.kernel(
        _body,
        mesh=mesh,
        compiler_params=pltpu.CompilerParams(needs_layout_passes=False),
        out_type=jax.ShapeDtypeStruct((32,), jnp.float32),
        scratch_types=[
            pltpu.VMEM((_BUF,), jnp.int32),
            pltpu.VMEM((64,), jnp.float32),
            pltpu.VMEM((32,), jnp.float32),
            pltpu.SemaphoreType.DMA,
        ],
    )(buf)
    return out[:_SS]

# --- scband reference (transcript-rebuilt; emitter-appended) ---
"""Pipeline reference for scband-loss-26405458936156 (READ-ONLY COPY).

The authoritative reference and input builder live on the scoring server;
editing this copy changes nothing except your own understanding.
"""

import jax, jax.numpy as jnp
import numpy as np


def setup_inputs(seed: int = 0) -> dict:
    key = jax.random.key(seed)
    k1, k2 = jax.random.split(key)
    pred = jax.random.normal(k1, (25, 75), dtype=jnp.float32)
    truth = jax.random.randint(k2, (25, 25, 2), 0, 64, dtype=jnp.int32)
    return {"pred": pred, "truth": truth, "S": 5}


def _iou(px, py, tx, ty):
    x1 = jnp.maximum(28.0 - 2.0 * jnp.abs(px * 16.0 - tx * 16.0), 0.0)
    y1 = jnp.maximum(28.0 - 2.0 * jnp.abs(py * 16.0 - ty * 16.0), 0.0)
    x2 = 28.0 + jnp.abs(px * 16.0 - tx * 16.0)
    y2 = 28.0 + jnp.abs(py * 16.0 - ty * 16.0)
    return x1 * y1 / (x2 * y2)


def reference(pred, truth, S=5):
    B = pred.shape[0]
    n = truth.shape[1]
    SS = pred.shape[1] // 3
    truth = truth.astype(jnp.float32)
    prediction = pred.reshape(-1, SS, 3)
    pred_conf = prediction[:, :, 0]
    pred_coord = prediction[:, :, 1:3]
    cell_w = 80.0 / S
    a = truth[:, :, 0] + 14.0
    b = truth[:, :, 1] + 14.0
    tx = (a % cell_w) * (S / 80.0)
    ty = (b % cell_w) * (S / 80.0)
    label_ceil = (a - a % cell_w) / cell_w * S + (b - b % cell_w) / cell_w
    cells = label_ceil.astype(jnp.int32)  # [B, n]
    rows = jnp.arange(B)

    # loop 1: object-cell confidence loss (last object writing a cell wins)
    ploss1 = jnp.zeros((B, SS), dtype=pred.dtype)
    for j in range(n):
        c = cells[:, j]
        px = pred_coord[rows, c, 0]
        py = pred_coord[rows, c, 1]
        val = (pred_conf[rows, c] - _iou(px, py, tx[:, j], ty[:, j])) ** 2
        ploss1 = ploss1.at[rows, c].set(val)

    # loop 2: any object with a different cell overwrites with no-object loss (faithful bug)
    any_ne = jnp.any(cells[:, :, None] != jnp.arange(SS)[None, None, :], axis=1)  # [B, SS]
    p_loss = jnp.where(any_ne, 0.5 * pred_conf ** 2, ploss1)  # [B, SS]

    # coordinate loss, stored at OBJECT index j (not cell index), faithful to source
    px_all = pred_coord[rows[:, None], cells, 0]  # [B, n]
    py_all = pred_coord[rows[:, None], cells, 1]
    dvals = (px_all - tx) ** 2 + (py_all - ty) ** 2
    dis_loss = jnp.zeros((B, SS), dtype=pred.dtype).at[:, :n].set(dvals)
    dis_loss = 5.0 * dis_loss

    # broadcast (B,SS) + (B,SS,1) -> (B,SS,SS), only valid because B == SS
    total = dis_loss[None, :, :] + p_loss[:, :, None]
    loss1 = jnp.mean(total, axis=1)
    loss2 = jnp.mean(loss1, axis=0)
    return loss2

if __name__ == "__main__":
    import jax
    _d = setup_inputs()
    print(jax.jit(kernel)(*tuple(_d.values())))

</pallas_src>

<mosaic_0001>
#map = affine_map<(d0, d1) -> (0)>
module attributes {stable_mosaic.version = 14 : i64} {
  func.func @_body(%arg0: i32, %arg1: i32, %arg2: memref<2560xi32, #tpu.memory_space<hbm>>, %arg3: memref<32xf32, #tpu.memory_space<hbm>>, %arg4: memref<2560xi32, #tpu.memory_space<vmem>>, %arg5: memref<64xf32, #tpu.memory_space<vmem>>, %arg6: memref<32xf32, #tpu.memory_space<vmem>>, %arg7: memref<!tpu.dma_semaphore, #tpu.memory_space<semaphore_mem>>) attributes {dimension_semantics = [#tpu.dimension_semantics<core_parallel>, #tpu.dimension_semantics<subcore_parallel>], iteration_bounds = array<i64: 1, 16>, scalar_prefetch = 0 : i64, scratch_operands = 4 : i64, tpu.core_type = #tpu.core_type<sc_vector_subcore>, window_params = [{transform_indices = #map}, {transform_indices = #map}]} {
    %mul3A = arith.constant 16 : i32
    %mul3A_0 = arith.muli %arg0, %mul3A : i32
    %add3A = arith.addi %mul3A_0, %arg1 : i32
    %eq3A = arith.constant 0 : i32
    %eq3A_1 = arith.cmpi eq, %add3A, %eq3A : i32
    %convert_element_type3A = arith.extui %eq3A_1 : i1 to i32
    %cond3A = arith.constant 0 : i32
    %cond3A_2 = arith.cmpi ne, %convert_element_type3A, %cond3A : i32
    scf.if %cond3A_2 {
      tpu.enqueue_dma source(%arg2 : memref<2560xi32, #tpu.memory_space<hbm>>) target(%arg4 : memref<2560xi32, #tpu.memory_space<vmem>>) target_semaphore(%arg7 : memref<!tpu.dma_semaphore, #tpu.memory_space<semaphore_mem>>)
      %iota3A = tpu.iota {dimensions = array<i32: 0>} : vector<16xi32>
      %broadcast_in_dim3A = arith.constant 0.000000e+00 : f32
      %broadcast_in_dim3A_3 = vector.broadcast %broadcast_in_dim3A : f32 to vector<16xf32>
      %swap3A = arith.constant 0 : index
      %swap3A_4 = tpu.vector_load %arg5[%swap3A] {strides = array<i32>} : memref<64xf32, #tpu.memory_space<vmem>>, vector<16xf32>,
      tpu.vector_store %arg5[%swap3A], %broadcast_in_dim3A_3 {strides = array<i32>} : memref<64xf32, #tpu.memory_space<vmem>>, vector<16xf32>,
      %swap3A_5 = arith.constant 16 : index
      %swap3A_6 = tpu.vector_load %arg5[%swap3A_5] {strides = array<i32>} : memref<64xf32, #tpu.memory_space<vmem>>, vector<16xf32>,
      tpu.vector_store %arg5[%swap3A_5], %broadcast_in_dim3A_3 {strides = array<i32>} : memref<64xf32, #tpu.memory_space<vmem>>, vector<16xf32>,
      %swap3A_7 = arith.constant 32 : index
      %swap3A_8 = tpu.vector_load %arg5[%swap3A_7] {strides = array<i32>} : memref<64xf32, #tpu.memory_space<vmem>>, vector<16xf32>,
      tpu.vector_store %arg5[%swap3A_7], %broadcast_in_dim3A_3 {strides = array<i32>} : memref<64xf32, #tpu.memory_space<vmem>>, vector<16xf32>,
      %swap3A_9 = arith.constant 48 : index
      %swap3A_10 = tpu.vector_load %arg5[%swap3A_9] {strides = array<i32>} : memref<64xf32, #tpu.memory_space<vmem>>, vector<16xf32>,
      tpu.vector_store %arg5[%swap3A_9], %broadcast_in_dim3A_3 {strides = array<i32>} : memref<64xf32, #tpu.memory_space<vmem>>, vector<16xf32>,
      tpu.wait_dma2 semaphore(%arg7 : memref<!tpu.dma_semaphore, #tpu.memory_space<semaphore_mem>>) src(%arg2 : memref<2560xi32, #tpu.memory_space<hbm>>) dst(%arg4 : memref<2560xi32, #tpu.memory_space<vmem>>)
      %scan3A = arith.constant 0 : i32
      %scan3A_11 = arith.constant 20 : i32
      %scan3A_12 = arith.addi %scan3A, %scan3A_11 : i32
      %scan3A_13 = arith.constant 1 : i32
      %scan3A_14:2 = scf.for %scan3A_509 = %scan3A to %scan3A_12 step %scan3A_13 iter_args(%scan3A_510 = %broadcast_in_dim3A_3, %scan3A_511 = %broadcast_in_dim3A_3) -> (vector<16xf32>, vector<16xf32>)  : i32 {
        %mul3A_512 = arith.constant 16 : i32
        %mul3A_513 = arith.muli %scan3A_509, %mul3A_512 : i32
        %add3A_514 = vector.broadcast %mul3A_513 : i32 to vector<16xi32>
        %add3A_515 = arith.addi %add3A_514, %iota3A : vector<16xi32>
        %add3A_516 = arith.constant 20 : i32
        %add3A_517 = arith.addi %add3A_516, %scan3A_509 : i32
        %mul3A_518 = arith.constant 16 : i32
        %mul3A_519 = arith.muli %add3A_517, %mul3A_518 : i32
        %add3A_520 = vector.broadcast %mul3A_519 : i32 to vector<16xi32>
        %add3A_521 = arith.addi %add3A_520, %iota3A : vector<16xi32>
        %jit3A_522 = arith.constant 25 : i32
        %div3A_523 = vector.broadcast %jit3A_522 : i32 to vector<16xi32>
        %div3A_524 = arith.divsi %add3A_515, %div3A_523 : vector<16xi32>
        %sign3A_525 = arith.constant 0 : i32
        %sign3A_526 = vector.broadcast %sign3A_525 : i32 to vector<16xi32>
        %sign3A_527 = arith.cmpi sgt, %add3A_515, %sign3A_526 : vector<16xi32>
        %sign3A_528 = arith.extui %sign3A_527 : vector<16xi1> to vector<16xi32>
        %sign3A_529 = arith.constant 0 : i32
        %sign3A_530 = vector.broadcast %sign3A_529 : i32 to vector<16xi32>
        %sign3A_531 = arith.cmpi slt, %add3A_515, %sign3A_530 : vector<16xi32>
        %sign3A_532 = arith.extui %sign3A_531 : vector<16xi1> to vector<16xi32>
        %sign3A_533 = arith.subi %sign3A_528, %sign3A_532 : vector<16xi32>
        %sign3A_534 = arith.constant 0 : i32
        %sign3A_535 = arith.cmpi sgt, %jit3A_522, %sign3A_534 : i32
        %sign3A_536 = arith.extui %sign3A_535 : i1 to i32
        %sign3A_537 = arith.constant 0 : i32
        %sign3A_538 = arith.cmpi slt, %jit3A_522, %sign3A_537 : i32
        %sign3A_539 = arith.extui %sign3A_538 : i1 to i32
        %sign3A_540 = arith.subi %sign3A_536, %sign3A_539 : i32
        %ne3A_541 = vector.broadcast %sign3A_540 : i32 to vector<16xi32>
        %ne3A_542 = arith.cmpi ne, %sign3A_533, %ne3A_541 : vector<16xi32>
        %rem3A_543 = vector.broadcast %jit3A_522 : i32 to vector<16xi32>
        %rem3A_544 = arith.remsi %add3A_515, %rem3A_543 : vector<16xi32>
        %ne3A_545 = arith.constant 0 : i32
        %ne3A_546 = vector.broadcast %ne3A_545 : i32 to vector<16xi32>
        %ne3A_547 = arith.cmpi ne, %rem3A_544, %ne3A_546 : vector<16xi32>
        %and3A_548 = arith.andi %ne3A_542, %ne3A_547 : vector<16xi1>
        %sub3A_549 = arith.constant 1 : i32
        %sub3A_550 = vector.broadcast %sub3A_549 : i32 to vector<16xi32>
        %sub3A_551 = arith.subi %div3A_524, %sub3A_550 : vector<16xi32>
        %select_n3A_552 = arith.select %and3A_548, %sub3A_551, %div3A_524 : vector<16xi1>, vector<16xi32>
        %add3A_553 = arith.constant 1920 : i32
        %add3A_554 = vector.broadcast %add3A_553 : i32 to vector<16xi32>
        %add3A_555 = arith.addi %add3A_554, %add3A_515 : vector<16xi32>
        %gather3A_556 = tpu.vector_load_idx %arg4[%add3A_555] : memref<2560xi32, #tpu.memory_space<vmem>>[vector<16xi32>], vector<16xi32>,
        %shift_right_arithmetic3A_557 = arith.constant 8 : i32
        %shift_right_arithmetic3A_558 = vector.broadcast %shift_right_arithmetic3A_557 : i32 to vector<16xi32>
        %shift_right_arithmetic3A_559 = arith.shrsi %gather3A_556, %shift_right_arithmetic3A_558 : vector<16xi32>
        %add3A_560 = arith.constant 14 : i32
        %add3A_561 = vector.broadcast %add3A_560 : i32 to vector<16xi32>
        %add3A_562 = arith.addi %shift_right_arithmetic3A_559, %add3A_561 : vector<16xi32>
        %and3A_563 = arith.constant 255 : i32
        %and3A_564 = vector.broadcast %and3A_563 : i32 to vector<16xi32>
        %and3A_565 = arith.andi %gather3A_556, %and3A_564 : vector<16xi32>
        %add3A_566 = arith.constant 14 : i32
        %add3A_567 = vector.broadcast %add3A_566 : i32 to vector<16xi32>
        %add3A_568 = arith.addi %and3A_565, %add3A_567 : vector<16xi32>
        %jit3A_569 = arith.constant 16 : i32
        %eq3A_570 = arith.constant 0 : i32
        %eq3A_571 = arith.cmpi eq, %jit3A_569, %eq3A_570 : i32
        %jit3A_572 = arith.constant 1 : i32
        %select_n3A_573 = arith.select %eq3A_571, %jit3A_572, %jit3A_569 : i32
        %rem3A_574 = vector.broadcast %select_n3A_573 : i32 to vector<16xi32>
        %rem3A_575 = arith.remsi %add3A_562, %rem3A_574 : vector<16xi32>
        %ne3A_576 = arith.constant 0 : i32
        %ne3A_577 = vector.broadcast %ne3A_576 : i32 to vector<16xi32>
        %ne3A_578 = arith.cmpi ne, %rem3A_575, %ne3A_577 : vector<16xi32>
        %lt3A_579 = arith.constant 0 : i32
        %lt3A_580 = vector.broadcast %lt3A_579 : i32 to vector<16xi32>
        %lt3A_581 = arith.cmpi slt, %rem3A_575, %lt3A_580 : vector<16xi32>
        %lt3A_582 = arith.constant 0 : i32
        %lt3A_583 = arith.cmpi slt, %select_n3A_573, %lt3A_582 : i32
        %ne3A_584 = vector.broadcast %lt3A_583 : i1 to vector<16xi1>
        %ne3A_585 = vector.broadcast %ne3A_584 : vector<16xi1> to vector<16xi1>
        %ne3A_586 = arith.xori %lt3A_581, %ne3A_585 : vector<16xi1>
        %and3A_587 = arith.andi %ne3A_586, %ne3A_578 : vector<16xi1>
        %add3A_588 = vector.broadcast %select_n3A_573 : i32 to vector<16xi32>
        %add3A_589 = arith.addi %rem3A_575, %add3A_588 : vector<16xi32>
        %select_n3A_590 = arith.select %and3A_587, %add3A_589, %rem3A_575 : vector<16xi1>, vector<16xi32>
        %convert_element_type3A_591 = arith.sitofp %select_n3A_590 : vector<16xi32> to vector<16xf32>
        %mul3A_592 = arith.constant 6.250000e-02 : f32
        %mul3A_593 = vector.broadcast %mul3A_592 : f32 to vector<16xf32>
        %mul3A_594 = arith.mulf %convert_element_type3A_591, %mul3A_593 : vector<16xf32>
        %jit3A_595 = arith.constant 16 : i32
        %eq3A_596 = arith.constant 0 : i32
        %eq3A_597 = arith.cmpi eq, %jit3A_595, %eq3A_596 : i32
        %jit3A_598 = arith.constant 1 : i32
        %select_n3A_599 = arith.select %eq3A_597, %jit3A_598, %jit3A_595 : i32
        %rem3A_600 = vector.broadcast %select_n3A_599 : i32 to vector<16xi32>
        %rem3A_601 = arith.remsi %add3A_568, %rem3A_600 : vector<16xi32>
        %ne3A_602 = arith.constant 0 : i32
        %ne3A_603 = vector.broadcast %ne3A_602 : i32 to vector<16xi32>
        %ne3A_604 = arith.cmpi ne, %rem3A_601, %ne3A_603 : vector<16xi32>
        %lt3A_605 = arith.constant 0 : i32
        %lt3A_606 = vector.broadcast %lt3A_605 : i32 to vector<16xi32>
        %lt3A_607 = arith.cmpi slt, %rem3A_601, %lt3A_606 : vector<16xi32>
        %lt3A_608 = arith.constant 0 : i32
        %lt3A_609 = arith.cmpi slt, %select_n3A_599, %lt3A_608 : i32
        %ne3A_610 = vector.broadcast %lt3A_609 : i1 to vector<16xi1>
        %ne3A_611 = vector.broadcast %ne3A_610 : vector<16xi1> to vector<16xi1>
        %ne3A_612 = arith.xori %lt3A_607, %ne3A_611 : vector<16xi1>
        %and3A_613 = arith.andi %ne3A_612, %ne3A_604 : vector<16xi1>
        %add3A_614 = vector.broadcast %select_n3A_599 : i32 to vector<16xi32>
        %add3A_615 = arith.addi %rem3A_601, %add3A_614 : vector<16xi32>
        %select_n3A_616 = arith.select %and3A_613, %add3A_615, %rem3A_601 : vector<16xi1>, vector<16xi32>
        %convert_element_type3A_617 = arith.sitofp %select_n3A_616 : vector<16xi32> to vector<16xf32>
        %mul3A_618 = arith.constant 6.250000e-02 : f32
        %mul3A_619 = vector.broadcast %mul3A_618 : f32 to vector<16xf32>
        %mul3A_620 = arith.mulf %convert_element_type3A_617, %mul3A_619 : vector<16xf32>
        %jit3A_621 = arith.constant 16 : i32
        %div3A_622 = vector.broadcast %jit3A_621 : i32 to vector<16xi32>
        %div3A_623 = arith.divsi %add3A_562, %div3A_622 : vector<16xi32>
        %sign3A_624 = arith.constant 0 : i32
        %sign3A_625 = vector.broadcast %sign3A_624 : i32 to vector<16xi32>
        %sign3A_626 = arith.cmpi sgt, %add3A_562, %sign3A_625 : vector<16xi32>
        %sign3A_627 = arith.extui %sign3A_626 : vector<16xi1> to vector<16xi32>
        %sign3A_628 = arith.constant 0 : i32
        %sign3A_629 = vector.broadcast %sign3A_628 : i32 to vector<16xi32>
        %sign3A_630 = arith.cmpi slt, %add3A_562, %sign3A_629 : vector<16xi32>
        %sign3A_631 = arith.extui %sign3A_630 : vector<16xi1> to vector<16xi32>
        %sign3A_632 = arith.subi %sign3A_627, %sign3A_631 : vector<16xi32>
        %sign3A_633 = arith.constant 0 : i32
        %sign3A_634 = arith.cmpi sgt, %jit3A_621, %sign3A_633 : i32
        %sign3A_635 = arith.extui %sign3A_634 : i1 to i32
        %sign3A_636 = arith.constant 0 : i32
        %sign3A_637 = arith.cmpi slt, %jit3A_621, %sign3A_636 : i32
        %sign3A_638 = arith.extui %sign3A_637 : i1 to i32
        %sign3A_639 = arith.subi %sign3A_635, %sign3A_638 : i32
        %ne3A_640 = vector.broadcast %sign3A_639 : i32 to vector<16xi32>
        %ne3A_641 = arith.cmpi ne, %sign3A_632, %ne3A_640 : vector<16xi32>
        %rem3A_642 = vector.broadcast %jit3A_621 : i32 to vector<16xi32>
        %rem3A_643 = arith.remsi %add3A_562, %rem3A_642 : vector<16xi32>
        %ne3A_644 = arith.constant 0 : i32
        %ne3A_645 = vector.broadcast %ne3A_644 : i32 to vector<16xi32>
        %ne3A_646 = arith.cmpi ne, %rem3A_643, %ne3A_645 : vector<16xi32>
        %and3A_647 = arith.andi %ne3A_641, %ne3A_646 : vector<16xi1>
        %sub3A_648 = arith.constant 1 : i32
        %sub3A_649 = vector.broadcast %sub3A_648 : i32 to vector<16xi32>
        %sub3A_650 = arith.subi %div3A_623, %sub3A_649 : vector<16xi32>
        %select_n3A_651 = arith.select %and3A_647, %sub3A_650, %div3A_623 : vector<16xi1>, vector<16xi32>
        %mul3A_652 = arith.constant 5 : i32
        %mul3A_653 = vector.broadcast %mul3A_652 : i32 to vector<16xi32>
        %mul3A_654 = arith.muli %select_n3A_651, %mul3A_653 : vector<16xi32>
        %jit3A_655 = arith.constant 16 : i32
        %div3A_656 = vector.broadcast %jit3A_655 : i32 to vector<16xi32>
        %div3A_657 = arith.divsi %add3A_568, %div3A_656 : vector<16xi32>
        %sign3A_658 = arith.constant 0 : i32
        %sign3A_659 = vector.broadcast %sign3A_658 : i32 to vector<16xi32>
        %sign3A_660 = arith.cmpi sgt, %add3A_568, %sign3A_659 : vector<16xi32>
        %sign3A_661 = arith.extui %sign3A_660 : vector<16xi1> to vector<16xi32>
        %sign3A_662 = arith.constant 0 : i32
        %sign3A_663 = vector.broadcast %sign3A_662 : i32 to vector<16xi32>
        %sign3A_664 = arith.cmpi slt, %add3A_568, %sign3A_663 : vector<16xi32>
        %sign3A_665 = arith.extui %sign3A_664 : vector<16xi1> to vector<16xi32>
        %sign3A_666 = arith.subi %sign3A_661, %sign3A_665 : vector<16xi32>
        %sign3A_667 = arith.constant 0 : i32
        %sign3A_668 = arith.cmpi sgt, %jit3A_655, %sign3A_667 : i32
        %sign3A_669 = arith.extui %sign3A_668 : i1 to i32
        %sign3A_670 = arith.constant 0 : i32
        %sign3A_671 = arith.cmpi slt, %jit3A_655, %sign3A_670 : i32
        %sign3A_672 = arith.extui %sign3A_671 : i1 to i32
        %sign3A_673 = arith.subi %sign3A_669, %sign3A_672 : i32
        %ne3A_674 = vector.broadcast %sign3A_673 : i32 to vector<16xi32>
        %ne3A_675 = arith.cmpi ne, %sign3A_666, %ne3A_674 : vector<16xi32>
        %rem3A_676 = vector.broadcast %jit3A_655 : i32 to vector<16xi32>
        %rem3A_677 = arith.remsi %add3A_568, %rem3A_676 : vector<16xi32>
        %ne3A_678 = arith.constant 0 : i32
        %ne3A_679 = vector.broadcast %ne3A_678 : i32 to vector<16xi32>
        %ne3A_680 = arith.cmpi ne, %rem3A_677, %ne3A_679 : vector<16xi32>
        %and3A_681 = arith.andi %ne3A_675, %ne3A_680 : vector<16xi1>
        %sub3A_682 = arith.constant 1 : i32
        %sub3A_683 = vector.broadcast %sub3A_682 : i32 to vector<16xi32>
        %sub3A_684 = arith.subi %div3A_657, %sub3A_683 : vector<16xi32>
        %select_n3A_685 = arith.select %and3A_681, %sub3A_684, %div3A_657 : vector<16xi1>, vector<16xi32>
        %add3A_686 = arith.addi %mul3A_654, %select_n3A_685 : vector<16xi32>
        %mul3A_687 = arith.constant 75 : i32
        %mul3A_688 = vector.broadcast %mul3A_687 : i32 to vector<16xi32>
        %mul3A_689 = arith.muli %select_n3A_552, %mul3A_688 : vector<16xi32>
        %mul3A_690 = arith.constant 3 : i32
        %mul3A_691 = vector.broadcast %mul3A_690 : i32 to vector<16xi32>
        %mul3A_692 = arith.muli %mul3A_691, %add3A_686 : vector<16xi32>
        %add3A_693 = arith.addi %mul3A_689, %mul3A_692 : vector<16xi32>
        %add3A_694 = arith.constant 1 : i32
        %add3A_695 = vector.broadcast %add3A_694 : i32 to vector<16xi32>
        %add3A_696 = arith.addi %add3A_693, %add3A_695 : vector<16xi32>
        %gather3A_697 = tpu.vector_load_idx %arg4[%add3A_696] : memref<2560xi32, #tpu.memory_space<vmem>>[vector<16xi32>], vector<16xi32>,
        %bitcast3A_698 = vector.bitcast %gather3A_697 : vector<16xi32> to vector<16xf32>
        %add3A_699 = arith.constant 2 : i32
        %add3A_700 = vector.broadcast %add3A_699 : i32 to vector<16xi32>
        %add3A_701 = arith.addi %add3A_693, %add3A_700 : vector<16xi32>
        %gather3A_702 = tpu.vector_load_idx %arg4[%add3A_701] : memref<2560xi32, #tpu.memory_space<vmem>>[vector<16xi32>], vector<16xi32>,
        %bitcast3A_703 = vector.bitcast %gather3A_702 : vector<16xi32> to vector<16xf32>
        %mul3A_704 = arith.constant 3 : i32
        %mul3A_705 = vector.broadcast %mul3A_704 : i32 to vector<16xi32>
        %mul3A_706 = arith.muli %mul3A_705, %add3A_515 : vector<16xi32>
        %gather3A_707 = tpu.vector_load_idx %arg4[%mul3A_706] : memref<2560xi32, #tpu.memory_space<vmem>>[vector<16xi32>], vector<16xi32>,
        %bitcast3A_708 = vector.bitcast %gather3A_707 : vector<16xi32> to vector<16xf32>
        %sub3A_709 = arith.subf %bitcast3A_698, %mul3A_594 : vector<16xf32>
        %mul3A_710 = arith.mulf %sub3A_709, %sub3A_709 : vector<16xf32>
        %sub3A_711 = arith.subf %bitcast3A_703, %mul3A_620 : vector<16xf32>
        %mul3A_712 = arith.mulf %sub3A_711, %sub3A_711 : vector<16xf32>
        %add3A_713 = arith.addf %mul3A_710, %mul3A_712 : vector<16xf32>
        %mul3A_714 = arith.constant 5.000000e-01 : f32
        %mul3A_715 = vector.broadcast %mul3A_714 : f32 to vector<16xf32>
        %mul3A_716 = arith.mulf %mul3A_715, %bitcast3A_708 : vector<16xf32>
        %mul3A_717 = arith.mulf %mul3A_716, %bitcast3A_708 : vector<16xf32>
        %min3A_718 = arith.constant 624 : i32
        %min3A_719 = vector.broadcast %min3A_718 : i32 to vector<16xi32>
        %min3A_720 = arith.minsi %add3A_521, %min3A_719 : vector<16xi32>
        %jit3A_721 = arith.constant 25 : i32
        %div3A_722 = vector.broadcast %jit3A_721 : i32 to vector<16xi32>
        %div3A_723 = arith.divsi %min3A_720, %div3A_722 : vector<16xi32>
        %sign3A_724 = arith.constant 0 : i32
        %sign3A_725 = vector.broadcast %sign3A_724 : i32 to vector<16xi32>
        %sign3A_726 = arith.cmpi sgt, %min3A_720, %sign3A_725 : vector<16xi32>
        %sign3A_727 = arith.extui %sign3A_726 : vector<16xi1> to vector<16xi32>
        %sign3A_728 = arith.constant 0 : i32
        %sign3A_729 = vector.broadcast %sign3A_728 : i32 to vector<16xi32>
        %sign3A_730 = arith.cmpi slt, %min3A_720, %sign3A_729 : vector<16xi32>
        %sign3A_731 = arith.extui %sign3A_730 : vector<16xi1> to vector<16xi32>
        %sign3A_732 = arith.subi %sign3A_727, %sign3A_731 : vector<16xi32>
        %sign3A_733 = arith.constant 0 : i32
        %sign3A_734 = arith.cmpi sgt, %jit3A_721, %sign3A_733 : i32
        %sign3A_735 = arith.extui %sign3A_734 : i1 to i32
        %sign3A_736 = arith.constant 0 : i32
        %sign3A_737 = arith.cmpi slt, %jit3A_721, %sign3A_736 : i32
        %sign3A_738 = arith.extui %sign3A_737 : i1 to i32
        %sign3A_739 = arith.subi %sign3A_735, %sign3A_738 : i32
        %ne3A_740 = vector.broadcast %sign3A_739 : i32 to vector<16xi32>
        %ne3A_741 = arith.cmpi ne, %sign3A_732, %ne3A_740 : vector<16xi32>
        %rem3A_742 = vector.broadcast %jit3A_721 : i32 to vector<16xi32>
        %rem3A_743 = arith.remsi %min3A_720, %rem3A_742 : vector<16xi32>
        %ne3A_744 = arith.constant 0 : i32
        %ne3A_745 = vector.broadcast %ne3A_744 : i32 to vector<16xi32>
        %ne3A_746 = arith.cmpi ne, %rem3A_743, %ne3A_745 : vector<16xi32>
        %and3A_747 = arith.andi %ne3A_741, %ne3A_746 : vector<16xi1>
        %sub3A_748 = arith.constant 1 : i32
        %sub3A_749 = vector.broadcast %sub3A_748 : i32 to vector<16xi32>
        %sub3A_750 = arith.subi %div3A_723, %sub3A_749 : vector<16xi32>
        %select_n3A_751 = arith.select %and3A_747, %sub3A_750, %div3A_723 : vector<16xi1>, vector<16xi32>
        %add3A_752 = arith.constant 1920 : i32
        %add3A_753 = vector.broadcast %add3A_752 : i32 to vector<16xi32>
        %add3A_754 = arith.addi %add3A_753, %min3A_720 : vector<16xi32>
        %gather3A_755 = tpu.vector_load_idx %arg4[%add3A_754] : memref<2560xi32, #tpu.memory_space<vmem>>[vector<16xi32>], vector<16xi32>,
        %shift_right_arithmetic3A_756 = arith.constant 8 : i32
        %shift_right_arithmetic3A_757 = vector.broadcast %shift_right_arithmetic3A_756 : i32 to vector<16xi32>
        %shift_right_arithmetic3A_758 = arith.shrsi %gather3A_755, %shift_right_arithmetic3A_757 : vector<16xi32>
        %add3A_759 = arith.constant 14 : i32
        %add3A_760 = vector.broadcast %add3A_759 : i32 to vector<16xi32>
        %add3A_761 = arith.addi %shift_right_arithmetic3A_758, %add3A_760 : vector<16xi32>
        %and3A_762 = arith.constant 255 : i32
        %and3A_763 = vector.broadcast %and3A_762 : i32 to vector<16xi32>
        %and3A_764 = arith.andi %gather3A_755, %and3A_763 : vector<16xi32>
        %add3A_765 = arith.constant 14 : i32
        %add3A_766 = vector.broadcast %add3A_765 : i32 to vector<16xi32>
        %add3A_767 = arith.addi %and3A_764, %add3A_766 : vector<16xi32>
        %jit3A_768 = arith.constant 16 : i32
        %eq3A_769 = arith.constant 0 : i32
        %eq3A_770 = arith.cmpi eq, %jit3A_768, %eq3A_769 : i32
        %jit3A_771 = arith.constant 1 : i32
        %select_n3A_772 = arith.select %eq3A_770, %jit3A_771, %jit3A_768 : i32
        %rem3A_773 = vector.broadcast %select_n3A_772 : i32 to vector<16xi32>
        %rem3A_774 = arith.remsi %add3A_761, %rem3A_773 : vector<16xi32>
        %ne3A_775 = arith.constant 0 : i32
        %ne3A_776 = vector.broadcast %ne3A_775 : i32 to vector<16xi32>
        %ne3A_777 = arith.cmpi ne, %rem3A_774, %ne3A_776 : vector<16xi32>
        %lt3A_778 = arith.constant 0 : i32
        %lt3A_779 = vector.broadcast %lt3A_778 : i32 to vector<16xi32>
        %lt3A_780 = arith.cmpi slt, %rem3A_774, %lt3A_779 : vector<16xi32>
        %lt3A_781 = arith.constant 0 : i32
        %lt3A_782 = arith.cmpi slt, %select_n3A_772, %lt3A_781 : i32
        %ne3A_783 = vector.broadcast %lt3A_782 : i1 to vector<16xi1>
        %ne3A_784 = vector.broadcast %ne3A_783 : vector<16xi1> to vector<16xi1>
        %ne3A_785 = arith.xori %lt3A_780, %ne3A_784 : vector<16xi1>
        %and3A_786 = arith.andi %ne3A_785, %ne3A_777 : vector<16xi1>
        %add3A_787 = vector.broadcast %select_n3A_772 : i32 to vector<16xi32>
        %add3A_788 = arith.addi %rem3A_774, %add3A_787 : vector<16xi32>
        %select_n3A_789 = arith.select %and3A_786, %add3A_788, %rem3A_774 : vector<16xi1>, vector<16xi32>
        %convert_element_type3A_790 = arith.sitofp %select_n3A_789 : vector<16xi32> to vector<16xf32>
        %mul3A_791 = arith.constant 6.250000e-02 : f32
        %mul3A_792 = vector.broadcast %mul3A_791 : f32 to vector<16xf32>
        %mul3A_793 = arith.mulf %convert_element_type3A_790, %mul3A_792 : vector<16xf32>
        %jit3A_794 = arith.constant 16 : i32
        %eq3A_795 = arith.constant 0 : i32
        %eq3A_796 = arith.cmpi eq, %jit3A_794, %eq3A_795 : i32
        %jit3A_797 = arith.constant 1 : i32
        %select_n3A_798 = arith.select %eq3A_796, %jit3A_797, %jit3A_794 : i32
        %rem3A_799 = vector.broadcast %select_n3A_798 : i32 to vector<16xi32>
        %rem3A_800 = arith.remsi %add3A_767, %rem3A_799 : vector<16xi32>
        %ne3A_801 = arith.constant 0 : i32
        %ne3A_802 = vector.broadcast %ne3A_801 : i32 to vector<16xi32>
        %ne3A_803 = arith.cmpi ne, %rem3A_800, %ne3A_802 : vector<16xi32>
        %lt3A_804 = arith.constant 0 : i32
        %lt3A_805 = vector.broadcast %lt3A_804 : i32 to vector<16xi32>
        %lt3A_806 = arith.cmpi slt, %rem3A_800, %lt3A_805 : vector<16xi32>
        %lt3A_807 = arith.constant 0 : i32
        %lt3A_808 = arith.cmpi slt, %select_n3A_798, %lt3A_807 : i32
        %ne3A_809 = vector.broadcast %lt3A_808 : i1 to vector<16xi1>
        %ne3A_810 = vector.broadcast %ne3A_809 : vector<16xi1> to vector<16xi1>
        %ne3A_811 = arith.xori %lt3A_806, %ne3A_810 : vector<16xi1>
        %and3A_812 = arith.andi %ne3A_811, %ne3A_803 : vector<16xi1>
        %add3A_813 = vector.broadcast %select_n3A_798 : i32 to vector<16xi32>
        %add3A_814 = arith.addi %rem3A_800, %add3A_813 : vector<16xi32>
        %select_n3A_815 = arith.select %and3A_812, %add3A_814, %rem3A_800 : vector<16xi1>, vector<16xi32>
        %convert_element_type3A_816 = arith.sitofp %select_n3A_815 : vector<16xi32> to vector<16xf32>
        %mul3A_817 = arith.constant 6.250000e-02 : f32
        %mul3A_818 = vector.broadcast %mul3A_817 : f32 to vector<16xf32>
        %mul3A_819 = arith.mulf %convert_element_type3A_816, %mul3A_818 : vector<16xf32>
        %jit3A_820 = arith.constant 16 : i32
        %div3A_821 = vector.broadcast %jit3A_820 : i32 to vector<16xi32>
        %div3A_822 = arith.divsi %add3A_761, %div3A_821 : vector<16xi32>
        %sign3A_823 = arith.constant 0 : i32
        %sign3A_824 = vector.broadcast %sign3A_823 : i32 to vector<16xi32>
        %sign3A_825 = arith.cmpi sgt, %add3A_761, %sign3A_824 : vector<16xi32>
        %sign3A_826 = arith.extui %sign3A_825 : vector<16xi1> to vector<16xi32>
        %sign3A_827 = arith.constant 0 : i32
        %sign3A_828 = vector.broadcast %sign3A_827 : i32 to vector<16xi32>
        %sign3A_829 = arith.cmpi slt, %add3A_761, %sign3A_828 : vector<16xi32>
        %sign3A_830 = arith.extui %sign3A_829 : vector<16xi1> to vector<16xi32>
        %sign3A_831 = arith.subi %sign3A_826, %sign3A_830 : vector<16xi32>
        %sign3A_832 = arith.constant 0 : i32
        %sign3A_833 = arith.cmpi sgt, %jit3A_820, %sign3A_832 : i32
        %sign3A_834 = arith.extui %sign3A_833 : i1 to i32
        %sign3A_835 = arith.constant 0 : i32
        %sign3A_836 = arith.cmpi slt, %jit3A_820, %sign3A_835 : i32
        %sign3A_837 = arith.extui %sign3A_836 : i1 to i32
        %sign3A_838 = arith.subi %sign3A_834, %sign3A_837 : i32
        %ne3A_839 = vector.broadcast %sign3A_838 : i32 to vector<16xi32>
        %ne3A_840 = arith.cmpi ne, %sign3A_831, %ne3A_839 : vector<16xi32>
        %rem3A_841 = vector.broadcast %jit3A_820 : i32 to vector<16xi32>
        %rem3A_842 = arith.remsi %add3A_761, %rem3A_841 : vector<16xi32>
        %ne3A_843 = arith.constant 0 : i32
        %ne3A_844 = vector.broadcast %ne3A_843 : i32 to vector<16xi32>
        %ne3A_845 = arith.cmpi ne, %rem3A_842, %ne3A_844 : vector<16xi32>
        %and3A_846 = arith.andi %ne3A_840, %ne3A_845 : vector<16xi1>
        %sub3A_847 = arith.constant 1 : i32
        %sub3A_848 = vector.broadcast %sub3A_847 : i32 to vector<16xi32>
        %sub3A_849 = arith.subi %div3A_822, %sub3A_848 : vector<16xi32>
        %select_n3A_850 = arith.select %and3A_846, %sub3A_849, %div3A_822 : vector<16xi1>, vector<16xi32>
        %mul3A_851 = arith.constant 5 : i32
        %mul3A_852 = vector.broadcast %mul3A_851 : i32 to vector<16xi32>
        %mul3A_853 = arith.muli %select_n3A_850, %mul3A_852 : vector<16xi32>
        %jit3A_854 = arith.constant 16 : i32
        %div3A_855 = vector.broadcast %jit3A_854 : i32 to vector<16xi32>
        %div3A_856 = arith.divsi %add3A_767, %div3A_855 : vector<16xi32>
        %sign3A_857 = arith.constant 0 : i32
        %sign3A_858 = vector.broadcast %sign3A_857 : i32 to vector<16xi32>
        %sign3A_859 = arith.cmpi sgt, %add3A_767, %sign3A_858 : vector<16xi32>
        %sign3A_860 = arith.extui %sign3A_859 : vector<16xi1> to vector<16xi32>
        %sign3A_861 = arith.constant 0 : i32
        %sign3A_862 = vector.broadcast %sign3A_861 : i32 to vector<16xi32>
        %sign3A_863 = arith.cmpi slt, %add3A_767, %sign3A_862 : vector<16xi32>
        %sign3A_864 = arith.extui %sign3A_863 : vector<16xi1> to vector<16xi32>
        %sign3A_865 = arith.subi %sign3A_860, %sign3A_864 : vector<16xi32>
        %sign3A_866 = arith.constant 0 : i32
        %sign3A_867 = arith.cmpi sgt, %jit3A_854, %sign3A_866 : i32
        %sign3A_868 = arith.extui %sign3A_867 : i1 to i32
        %sign3A_869 = arith.constant 0 : i32
        %sign3A_870 = arith.cmpi slt, %jit3A_854, %sign3A_869 : i32
        %sign3A_871 = arith.extui %sign3A_870 : i1 to i32
        %sign3A_872 = arith.subi %sign3A_868, %sign3A_871 : i32
        %ne3A_873 = vector.broadcast %sign3A_872 : i32 to vector<16xi32>
        %ne3A_874 = arith.cmpi ne, %sign3A_865, %ne3A_873 : vector<16xi32>
        %rem3A_875 = vector.broadcast %jit3A_854 : i32 to vector<16xi32>
        %rem3A_876 = arith.remsi %add3A_767, %rem3A_875 : vector<16xi32>
        %ne3A_877 = arith.constant 0 : i32
        %ne3A_878 = vector.broadcast %ne3A_877 : i32 to vector<16xi32>
        %ne3A_879 = arith.cmpi ne, %rem3A_876, %ne3A_878 : vector<16xi32>
        %and3A_880 = arith.andi %ne3A_874, %ne3A_879 : vector<16xi1>
        %sub3A_881 = arith.constant 1 : i32
        %sub3A_882 = vector.broadcast %sub3A_881 : i32 to vector<16xi32>
        %sub3A_883 = arith.subi %div3A_856, %sub3A_882 : vector<16xi32>
        %select_n3A_884 = arith.select %and3A_880, %sub3A_883, %div3A_856 : vector<16xi1>, vector<16xi32>
        %add3A_885 = arith.addi %mul3A_853, %select_n3A_884 : vector<16xi32>
        %mul3A_886 = arith.constant 75 : i32
        %mul3A_887 = vector.broadcast %mul3A_886 : i32 to vector<16xi32>
        %mul3A_888 = arith.muli %select_n3A_751, %mul3A_887 : vector<16xi32>
        %mul3A_889 = arith.constant 3 : i32
        %mul3A_890 = vector.broadcast %mul3A_889 : i32 to vector<16xi32>
        %mul3A_891 = arith.muli %mul3A_890, %add3A_885 : vector<16xi32>
        %add3A_892 = arith.addi %mul3A_888, %mul3A_891 : vector<16xi32>
        %add3A_893 = arith.constant 1 : i32
        %add3A_894 = vector.broadcast %add3A_893 : i32 to vector<16xi32>
        %add3A_895 = arith.addi %add3A_892, %add3A_894 : vector<16xi32>
        %gather3A_896 = tpu.vector_load_idx %arg4[%add3A_895] : memref<2560xi32, #tpu.memory_space<vmem>>[vector<16xi32>], vector<16xi32>,
        %bitcast3A_897 = vector.bitcast %gather3A_896 : vector<16xi32> to vector<16xf32>
        %add3A_898 = arith.constant 2 : i32
        %add3A_899 = vector.broadcast %add3A_898 : i32 to vector<16xi32>
        %add3A_900 = arith.addi %add3A_892, %add3A_899 : vector<16xi32>
        %gather3A_901 = tpu.vector_load_idx %arg4[%add3A_900] : memref<2560xi32, #tpu.memory_space<vmem>>[vector<16xi32>], vector<16xi32>,
        %bitcast3A_902 = vector.bitcast %gather3A_901 : vector<16xi32> to vector<16xf32>
        %mul3A_903 = arith.constant 3 : i32
        %mul3A_904 = vector.broadcast %mul3A_903 : i32 to vector<16xi32>
        %mul3A_905 = arith.muli %mul3A_904, %min3A_720 : vector<16xi32>
        %gather3A_906 = tpu.vector_load_idx %arg4[%mul3A_905] : memref<2560xi32, #tpu.memory_space<vmem>>[vector<16xi32>], vector<16xi32>,
        %bitcast3A_907 = vector.bitcast %gather3A_906 : vector<16xi32> to vector<16xf32>
        %sub3A_908 = arith.subf %bitcast3A_897, %mul3A_793 : vector<16xf32>
        %mul3A_909 = arith.mulf %sub3A_908, %sub3A_908 : vector<16xf32>
        %sub3A_910 = arith.subf %bitcast3A_902, %mul3A_819 : vector<16xf32>
        %mul3A_911 = arith.mulf %sub3A_910, %sub3A_910 : vector<16xf32>
        %add3A_912 = arith.addf %mul3A_909, %mul3A_911 : vector<16xf32>
        %mul3A_913 = arith.constant 5.000000e-01 : f32
        %mul3A_914 = vector.broadcast %mul3A_913 : f32 to vector<16xf32>
        %mul3A_915 = arith.mulf %mul3A_914, %bitcast3A_907 : vector<16xf32>
        %mul3A_916 = arith.mulf %mul3A_915, %bitcast3A_907 : vector<16xf32>
        %lt3A_917 = arith.constant 625 : i32
        %lt3A_918 = vector.broadcast %lt3A_917 : i32 to vector<16xi32>
        %lt3A_919 = arith.cmpi slt, %add3A_521, %lt3A_918 : vector<16xi32>
        %jit3A_920 = arith.constant 0.000000e+00 : f32
        %broadcast_in_dim3A_921 = vector.broadcast %jit3A_920 : f32 to vector<16xf32>
        %select_n3A_922 = arith.select %lt3A_919, %add3A_912, %broadcast_in_dim3A_921 : vector<16xi1>, vector<16xf32>
        %jit3A_923 = arith.constant 0.000000e+00 : f32
        %broadcast_in_dim3A_924 = vector.broadcast %jit3A_923 : f32 to vector<16xf32>
        %select_n3A_925 = arith.select %lt3A_919, %mul3A_916, %broadcast_in_dim3A_924 : vector<16xi1>, vector<16xf32>
        %jit3A_926 = arith.constant 25 : i32
        %eq3A_927 = arith.constant 0 : i32
        %eq3A_928 = arith.cmpi eq, %jit3A_926, %eq3A_927 : i32
        %jit3A_929 = arith.constant 1 : i32
        %select_n3A_930 = arith.select %eq3A_928, %jit3A_929, %jit3A_926 : i32
        %rem3A_931 = vector.broadcast %select_n3A_930 : i32 to vector<16xi32>
        %rem3A_932 = arith.remsi %add3A_515, %rem3A_931 : vector<16xi32>
        %ne3A_933 = arith.constant 0 : i32
        %ne3A_934 = vector.broadcast %ne3A_933 : i32 to vector<16xi32>
        %ne3A_935 = arith.cmpi ne, %rem3A_932, %ne3A_934 : vector<16xi32>
        %lt3A_936 = arith.constant 0 : i32
        %lt3A_937 = vector.broadcast %lt3A_936 : i32 to vector<16xi32>
        %lt3A_938 = arith.cmpi slt, %rem3A_932, %lt3A_937 : vector<16xi32>
        %lt3A_939 = arith.constant 0 : i32
        %lt3A_940 = arith.cmpi slt, %select_n3A_930, %lt3A_939 : i32
        %ne3A_941 = vector.broadcast %lt3A_940 : i1 to vector<16xi1>
        %ne3A_942 = vector.broadcast %ne3A_941 : vector<16xi1> to vector<16xi1>
        %ne3A_943 = arith.xori %lt3A_938, %ne3A_942 : vector<16xi1>
        %and3A_944 = arith.andi %ne3A_943, %ne3A_935 : vector<16xi1>
        %add3A_945 = vector.broadcast %select_n3A_930 : i32 to vector<16xi32>
        %add3A_946 = arith.addi %rem3A_932, %add3A_945 : vector<16xi32>
        %select_n3A_947 = arith.select %and3A_944, %add3A_946, %rem3A_932 : vector<16xi1>, vector<16xi32>
        tpu.vector_store_idx %arg5[%select_n3A_947], %add3A_713 {add = true} : memref<64xf32, #tpu.memory_space<vmem>>[vector<16xi32>], vector<16xf32>,
        %jit3A_948 = arith.constant 25 : i32
        %eq3A_949 = arith.constant 0 : i32
        %eq3A_950 = arith.cmpi eq, %jit3A_948, %eq3A_949 : i32
        %jit3A_951 = arith.constant 1 : i32
        %select_n3A_952 = arith.select %eq3A_950, %jit3A_951, %jit3A_948 : i32
        %rem3A_953 = vector.broadcast %select_n3A_952 : i32 to vector<16xi32>
        %rem3A_954 = arith.remsi %add3A_521, %rem3A_953 : vector<16xi32>
        %ne3A_955 = arith.constant 0 : i32
        %ne3A_956 = vector.broadcast %ne3A_955 : i32 to vector<16xi32>
        %ne3A_957 = arith.cmpi ne, %rem3A_954, %ne3A_956 : vector<16xi32>
        %lt3A_958 = arith.constant 0 : i32
        %lt3A_959 = vector.broadcast %lt3A_958 : i32 to vector<16xi32>
        %lt3A_960 = arith.cmpi slt, %rem3A_954, %lt3A_959 : vector<16xi32>
        %lt3A_961 = arith.constant 0 : i32
        %lt3A_962 = arith.cmpi slt, %select_n3A_952, %lt3A_961 : i32
        %ne3A_963 = vector.broadcast %lt3A_962 : i1 to vector<16xi1>
        %ne3A_964 = vector.broadcast %ne3A_963 : vector<16xi1> to vector<16xi1>
        %ne3A_965 = arith.xori %lt3A_960, %ne3A_964 : vector<16xi1>
        %and3A_966 = arith.andi %ne3A_965, %ne3A_957 : vector<16xi1>
        %add3A_967 = vector.broadcast %select_n3A_952 : i32 to vector<16xi32>
        %add3A_968 = arith.addi %rem3A_954, %add3A_967 : vector<16xi32>
        %select_n3A_969 = arith.select %and3A_966, %add3A_968, %rem3A_954 : vector<16xi1>, vector<16xi32>
        %add3A_970 = arith.constant 32 : i32
        %add3A_971 = vector.broadcast %add3A_970 : i32 to vector<16xi32>
        %add3A_972 = arith.addi %select_n3A_969, %add3A_971 : vector<16xi32>
        tpu.vector_store_idx %arg5[%add3A_972], %select_n3A_922 {add = true} : memref<64xf32, #tpu.memory_space<vmem>>[vector<16xi32>], vector<16xf32>,
        %add3A_973 = arith.addf %scan3A_510, %mul3A_717 : vector<16xf32>
        %add3A_974 = arith.addf %scan3A_511, %select_n3A_925 : vector<16xf32>
        scf.yield %add3A_973, %add3A_974 : vector<16xf32>, vector<16xf32>
      }
      %scan3A_15 = arith.constant 20 : i32
      %add3A_16 = arith.addf %scan3A_14#0, %scan3A_14#1 : vector<16xf32>
      %reduce_sum3A = arith.constant true
      %reduce_sum3A_17 = vector.broadcast %reduce_sum3A : i1 to vector<16xi1>
      %reduce_sum3A_18 = tpu.scan <sum>, %add3A_16 masked %reduce_sum3A_17 : vector<16xf32>, vector<16xi1> -> vector<16xf32>
      %reduce_sum3A_19 = vector.extract %reduce_sum3A_18[15] : f32 from vector<16xf32>
      %add3A_20 = arith.constant 16 : i32
      %add3A_21 = vector.broadcast %add3A_20 : i32 to vector<16xi32>
      %add3A_22 = arith.addi %iota3A, %add3A_21 : vector<16xi32>
      %min3A = arith.constant 24 : i32
      %min3A_23 = vector.broadcast %min3A : i32 to vector<16xi32>
      %min3A_24 = arith.minsi %add3A_22, %min3A_23 : vector<16xi32>
      %add3A_25 = arith.constant 16 : i32
      %add3A_26 = vector.broadcast %add3A_25 : i32 to vector<16xi32>
      %add3A_27 = arith.addi %iota3A, %add3A_26 : vector<16xi32>
      %lt3A = arith.constant 25 : i32
      %lt3A_28 = vector.broadcast %lt3A : i32 to vector<16xi32>
      %lt3A_29 = arith.cmpi slt, %add3A_27, %lt3A_28 : vector<16xi32>
      %mul3A_30 = arith.constant 25 : i32
      %mul3A_31 = vector.broadcast %mul3A_30 : i32 to vector<16xi32>
      %mul3A_32 = arith.muli %iota3A, %mul3A_31 : vector<16xi32>
      %add3A_33 = arith.constant 0 : i32
      %add3A_34 = vector.broadcast %add3A_33 : i32 to vector<16xi32>
      %add3A_35 = arith.addi %mul3A_32, %add3A_34 : vector<16xi32>
      %add3A_36 = arith.constant 1920 : i32
      %add3A_37 = vector.broadcast %add3A_36 : i32 to vector<16xi32>
      %add3A_38 = arith.addi %add3A_37, %add3A_35 : vector<16xi32>
      %gather3A = tpu.vector_load_idx %arg4[%add3A_38] : memref<2560xi32, #tpu.memory_space<vmem>>[vector<16xi32>], vector<16xi32>,
      %shift_right_arithmetic3A = arith.constant 8 : i32
      %shift_right_arithmetic3A_39 = vector.broadcast %shift_right_arithmetic3A : i32 to vector<16xi32>
      %shift_right_arithmetic3A_40 = arith.shrsi %gather3A, %shift_right_arithmetic3A_39 : vector<16xi32>
      %add3A_41 = arith.constant 14 : i32
      %add3A_42 = vector.broadcast %add3A_41 : i32 to vector<16xi32>
      %add3A_43 = arith.addi %shift_right_arithmetic3A_40, %add3A_42 : vector<16xi32>
      %and3A = arith.constant 255 : i32
      %and3A_44 = vector.broadcast %and3A : i32 to vector<16xi32>
      %and3A_45 = arith.andi %gather3A, %and3A_44 : vector<16xi32>
      %add3A_46 = arith.constant 14 : i32
      %add3A_47 = vector.broadcast %add3A_46 : i32 to vector<16xi32>
      %add3A_48 = arith.addi %and3A_45, %add3A_47 : vector<16xi32>
      %jit3A = arith.constant 16 : i32
      %div3A = vector.broadcast %jit3A : i32 to vector<16xi32>
      %div3A_49 = arith.divsi %add3A_43, %div3A : vector<16xi32>
      %sign3A = arith.constant 0 : i32
      %sign3A_50 = vector.broadcast %sign3A : i32 to vector<16xi32>
      %sign3A_51 = arith.cmpi sgt, %add3A_43, %sign3A_50 : vector<16xi32>
      %sign3A_52 = arith.extui %sign3A_51 : vector<16xi1> to vector<16xi32>
      %sign3A_53 = arith.constant 0 : i32
      %sign3A_54 = vector.broadcast %sign3A_53 : i32 to vector<16xi32>
      %sign3A_55 = arith.cmpi slt, %add3A_43, %sign3A_54 : vector<16xi32>
      %sign3A_56 = arith.extui %sign3A_55 : vector<16xi1> to vector<16xi32>
      %sign3A_57 = arith.subi %sign3A_52, %sign3A_56 : vector<16xi32>
      %sign3A_58 = arith.constant 0 : i32
      %sign3A_59 = arith.cmpi sgt, %jit3A, %sign3A_58 : i32
      %sign3A_60 = arith.extui %sign3A_59 : i1 to i32
      %sign3A_61 = arith.constant 0 : i32
      %sign3A_62 = arith.cmpi slt, %jit3A, %sign3A_61 : i32
      %sign3A_63 = arith.extui %sign3A_62 : i1 to i32
      %sign3A_64 = arith.subi %sign3A_60, %sign3A_63 : i32
      %ne3A = vector.broadcast %sign3A_64 : i32 to vector<16xi32>
      %ne3A_65 = arith.cmpi ne, %sign3A_57, %ne3A : vector<16xi32>
      %rem3A = vector.broadcast %jit3A : i32 to vector<16xi32>
      %rem3A_66 = arith.remsi %add3A_43, %rem3A : vector<16xi32>
      %ne3A_67 = arith.constant 0 : i32
      %ne3A_68 = vector.broadcast %ne3A_67 : i32 to vector<16xi32>
      %ne3A_69 = arith.cmpi ne, %rem3A_66, %ne3A_68 : vector<16xi32>
      %and3A_70 = arith.andi %ne3A_65, %ne3A_69 : vector<16xi1>
      %sub3A = arith.constant 1 : i32
      %sub3A_71 = vector.broadcast %sub3A : i32 to vector<16xi32>
      %sub3A_72 = arith.subi %div3A_49, %sub3A_71 : vector<16xi32>
      %select_n3A = arith.select %and3A_70, %sub3A_72, %div3A_49 : vector<16xi1>, vector<16xi32>
      %mul3A_73 = arith.constant 5 : i32
      %mul3A_74 = vector.broadcast %mul3A_73 : i32 to vector<16xi32>
      %mul3A_75 = arith.muli %select_n3A, %mul3A_74 : vector<16xi32>
      %jit3A_76 = arith.constant 16 : i32
      %div3A_77 = vector.broadcast %jit3A_76 : i32 to vector<16xi32>
      %div3A_78 = arith.divsi %add3A_48, %div3A_77 : vector<16xi32>
      %sign3A_79 = arith.constant 0 : i32
      %sign3A_80 = vector.broadcast %sign3A_79 : i32 to vector<16xi32>
      %sign3A_81 = arith.cmpi sgt, %add3A_48, %sign3A_80 : vector<16xi32>
      %sign3A_82 = arith.extui %sign3A_81 : vector<16xi1> to vector<16xi32>
      %sign3A_83 = arith.constant 0 : i32
      %sign3A_84 = vector.broadcast %sign3A_83 : i32 to vector<16xi32>
      %sign3A_85 = arith.cmpi slt, %add3A_48, %sign3A_84 : vector<16xi32>
      %sign3A_86 = arith.extui %sign3A_85 : vector<16xi1> to vector<16xi32>
      %sign3A_87 = arith.subi %sign3A_82, %sign3A_86 : vector<16xi32>
      %sign3A_88 = arith.constant 0 : i32
      %sign3A_89 = arith.cmpi sgt, %jit3A_76, %sign3A_88 : i32
      %sign3A_90 = arith.extui %sign3A_89 : i1 to i32
      %sign3A_91 = arith.constant 0 : i32
      %sign3A_92 = arith.cmpi slt, %jit3A_76, %sign3A_91 : i32
      %sign3A_93 = arith.extui %sign3A_92 : i1 to i32
      %sign3A_94 = arith.subi %sign3A_90, %sign3A_93 : i32
      %ne3A_95 = vector.broadcast %sign3A_94 : i32 to vector<16xi32>
      %ne3A_96 = arith.cmpi ne, %sign3A_87, %ne3A_95 : vector<16xi32>
      %rem3A_97 = vector.broadcast %jit3A_76 : i32 to vector<16xi32>
      %rem3A_98 = arith.remsi %add3A_48, %rem3A_97 : vector<16xi32>
      %ne3A_99 = arith.constant 0 : i32
      %ne3A_100 = vector.broadcast %ne3A_99 : i32 to vector<16xi32>
      %ne3A_101 = arith.cmpi ne, %rem3A_98, %ne3A_100 : vector<16xi32>
      %and3A_102 = arith.andi %ne3A_96, %ne3A_101 : vector<16xi1>
      %sub3A_103 = arith.constant 1 : i32
      %sub3A_104 = vector.broadcast %sub3A_103 : i32 to vector<16xi32>
      %sub3A_105 = arith.subi %div3A_78, %sub3A_104 : vector<16xi32>
      %select_n3A_106 = arith.select %and3A_102, %sub3A_105, %div3A_78 : vector<16xi1>, vector<16xi32>
      %add3A_107 = arith.addi %mul3A_75, %select_n3A_106 : vector<16xi32>
      %mul3A_108 = arith.constant 25 : i32
      %mul3A_109 = vector.broadcast %mul3A_108 : i32 to vector<16xi32>
      %mul3A_110 = arith.muli %min3A_24, %mul3A_109 : vector<16xi32>
      %add3A_111 = arith.constant 0 : i32
      %add3A_112 = vector.broadcast %add3A_111 : i32 to vector<16xi32>
      %add3A_113 = arith.addi %mul3A_110, %add3A_112 : vector<16xi32>
      %add3A_114 = arith.constant 1920 : i32
      %add3A_115 = vector.broadcast %add3A_114 : i32 to vector<16xi32>
      %add3A_116 = arith.addi %add3A_115, %add3A_113 : vector<16xi32>
      %gather3A_117 = tpu.vector_load_idx %arg4[%add3A_116] : memref<2560xi32, #tpu.memory_space<vmem>>[vector<16xi32>], vector<16xi32>,
      %shift_right_arithmetic3A_118 = arith.constant 8 : i32
      %shift_right_arithmetic3A_119 = vector.broadcast %shift_right_arithmetic3A_118 : i32 to vector<16xi32>
      %shift_right_arithmetic3A_120 = arith.shrsi %gather3A_117, %shift_right_arithmetic3A_119 : vector<16xi32>
      %add3A_121 = arith.constant 14 : i32
      %add3A_122 = vector.broadcast %add3A_121 : i32 to vector<16xi32>
      %add3A_123 = arith.addi %shift_right_arithmetic3A_120, %add3A_122 : vector<16xi32>
      %and3A_124 = arith.constant 255 : i32
      %and3A_125 = vector.broadcast %and3A_124 : i32 to vector<16xi32>
      %and3A_126 = arith.andi %gather3A_117, %and3A_125 : vector<16xi32>
      %add3A_127 = arith.constant 14 : i32
      %add3A_128 = vector.broadcast %add3A_127 : i32 to vector<16xi32>
      %add3A_129 = arith.addi %and3A_126, %add3A_128 : vector<16xi32>
      %jit3A_130 = arith.constant 16 : i32
      %div3A_131 = vector.broadcast %jit3A_130 : i32 to vector<16xi32>
      %div3A_132 = arith.divsi %add3A_123, %div3A_131 : vector<16xi32>
      %sign3A_133 = arith.constant 0 : i32
      %sign3A_134 = vector.broadcast %sign3A_133 : i32 to vector<16xi32>
      %sign3A_135 = arith.cmpi sgt, %add3A_123, %sign3A_134 : vector<16xi32>
      %sign3A_136 = arith.extui %sign3A_135 : vector<16xi1> to vector<16xi32>
      %sign3A_137 = arith.constant 0 : i32
      %sign3A_138 = vector.broadcast %sign3A_137 : i32 to vector<16xi32>
      %sign3A_139 = arith.cmpi slt, %add3A_123, %sign3A_138 : vector<16xi32>
      %sign3A_140 = arith.extui %sign3A_139 : vector<16xi1> to vector<16xi32>
      %sign3A_141 = arith.subi %sign3A_136, %sign3A_140 : vector<16xi32>
      %sign3A_142 = arith.constant 0 : i32
      %sign3A_143 = arith.cmpi sgt, %jit3A_130, %sign3A_142 : i32
      %sign3A_144 = arith.extui %sign3A_143 : i1 to i32
      %sign3A_145 = arith.constant 0 : i32
      %sign3A_146 = arith.cmpi slt, %jit3A_130, %sign3A_145 : i32
      %sign3A_147 = arith.extui %sign3A_146 : i1 to i32
      %sign3A_148 = arith.subi %sign3A_144, %sign3A_147 : i32
      %ne3A_149 = vector.broadcast %sign3A_148 : i32 to vector<16xi32>
      %ne3A_150 = arith.cmpi ne, %sign3A_141, %ne3A_149 : vector<16xi32>
      %rem3A_151 = vector.broadcast %jit3A_130 : i32 to vector<16xi32>
      %rem3A_152 = arith.remsi %add3A_123, %rem3A_151 : vector<16xi32>
      %ne3A_153 = arith.constant 0 : i32
      %ne3A_154 = vector.broadcast %ne3A_153 : i32 to vector<16xi32>
      %ne3A_155 = arith.cmpi ne, %rem3A_152, %ne3A_154 : vector<16xi32>
      %and3A_156 = arith.andi %ne3A_150, %ne3A_155 : vector<16xi1>
      %sub3A_157 = arith.constant 1 : i32
      %sub3A_158 = vector.broadcast %sub3A_157 : i32 to vector<16xi32>
      %sub3A_159 = arith.subi %div3A_132, %sub3A_158 : vector<16xi32>
      %select_n3A_160 = arith.select %and3A_156, %sub3A_159, %div3A_132 : vector<16xi1>, vector<16xi32>
      %mul3A_161 = arith.constant 5 : i32
      %mul3A_162 = vector.broadcast %mul3A_161 : i32 to vector<16xi32>
      %mul3A_163 = arith.muli %select_n3A_160, %mul3A_162 : vector<16xi32>
      %jit3A_164 = arith.constant 16 : i32
      %div3A_165 = vector.broadcast %jit3A_164 : i32 to vector<16xi32>
      %div3A_166 = arith.divsi %add3A_129, %div3A_165 : vector<16xi32>
      %sign3A_167 = arith.constant 0 : i32
      %sign3A_168 = vector.broadcast %sign3A_167 : i32 to vector<16xi32>
      %sign3A_169 = arith.cmpi sgt, %add3A_129, %sign3A_168 : vector<16xi32>
      %sign3A_170 = arith.extui %sign3A_169 : vector<16xi1> to vector<16xi32>
      %sign3A_171 = arith.constant 0 : i32
      %sign3A_172 = vector.broadcast %sign3A_171 : i32 to vector<16xi32>
      %sign3A_173 = arith.cmpi slt, %add3A_129, %sign3A_172 : vector<16xi32>
      %sign3A_174 = arith.extui %sign3A_173 : vector<16xi1> to vector<16xi32>
      %sign3A_175 = arith.subi %sign3A_170, %sign3A_174 : vector<16xi32>
      %sign3A_176 = arith.constant 0 : i32
      %sign3A_177 = arith.cmpi sgt, %jit3A_164, %sign3A_176 : i32
      %sign3A_178 = arith.extui %sign3A_177 : i1 to i32
      %sign3A_179 = arith.constant 0 : i32
      %sign3A_180 = arith.cmpi slt, %jit3A_164, %sign3A_179 : i32
      %sign3A_181 = arith.extui %sign3A_180 : i1 to i32
      %sign3A_182 = arith.subi %sign3A_178, %sign3A_181 : i32
      %ne3A_183 = vector.broadcast %sign3A_182 : i32 to vector<16xi32>
      %ne3A_184 = arith.cmpi ne, %sign3A_175, %ne3A_183 : vector<16xi32>
      %rem3A_185 = vector.broadcast %jit3A_164 : i32 to vector<16xi32>
      %rem3A_186 = arith.remsi %add3A_129, %rem3A_185 : vector<16xi32>
      %ne3A_187 = arith.constant 0 : i32
      %ne3A_188 = vector.broadcast %ne3A_187 : i32 to vector<16xi32>
      %ne3A_189 = arith.cmpi ne, %rem3A_186, %ne3A_188 : vector<16xi32>
      %and3A_190 = arith.andi %ne3A_184, %ne3A_189 : vector<16xi1>
      %sub3A_191 = arith.constant 1 : i32
      %sub3A_192 = vector.broadcast %sub3A_191 : i32 to vector<16xi32>
      %sub3A_193 = arith.subi %div3A_166, %sub3A_192 : vector<16xi32>
      %select_n3A_194 = arith.select %and3A_190, %sub3A_193, %div3A_166 : vector<16xi1>, vector<16xi32>
      %add3A_195 = arith.addi %mul3A_163, %select_n3A_194 : vector<16xi32>
      %scan3A_196 = arith.constant 1 : i32
      %scan3A_197 = arith.constant 24 : i32
      %scan3A_198 = arith.addi %scan3A_196, %scan3A_197 : i32
      %scan3A_199 = arith.constant 1 : i32
      %scan3A_200:4 = scf.for %scan3A_509 = %scan3A_196 to %scan3A_198 step %scan3A_199 iter_args(%scan3A_510 = %add3A_107, %scan3A_511 = %add3A_107, %scan3A_512 = %add3A_195, %scan3A_513 = %add3A_195) -> (vector<16xi32>, vector<16xi32>, vector<16xi32>, vector<16xi32>)  : i32 {
        %mul3A_514 = arith.constant 25 : i32
        %mul3A_515 = vector.broadcast %mul3A_514 : i32 to vector<16xi32>
        %mul3A_516 = arith.muli %iota3A, %mul3A_515 : vector<16xi32>
        %add3A_517 = vector.broadcast %scan3A_509 : i32 to vector<16xi32>
        %add3A_518 = arith.addi %mul3A_516, %add3A_517 : vector<16xi32>
        %add3A_519 = arith.constant 1920 : i32
        %add3A_520 = vector.broadcast %add3A_519 : i32 to vector<16xi32>
        %add3A_521 = arith.addi %add3A_520, %add3A_518 : vector<16xi32>
        %gather3A_522 = tpu.vector_load_idx %arg4[%add3A_521] : memref<2560xi32, #tpu.memory_space<vmem>>[vector<16xi32>], vector<16xi32>,
        %shift_right_arithmetic3A_523 = arith.constant 8 : i32
        %shift_right_arithmetic3A_524 = vector.broadcast %shift_right_arithmetic3A_523 : i32 to vector<16xi32>
        %shift_right_arithmetic3A_525 = arith.shrsi %gather3A_522, %shift_right_arithmetic3A_524 : vector<16xi32>
        %add3A_526 = arith.constant 14 : i32
        %add3A_527 = vector.broadcast %add3A_526 : i32 to vector<16xi32>
        %add3A_528 = arith.addi %shift_right_arithmetic3A_525, %add3A_527 : vector<16xi32>
        %and3A_529 = arith.constant 255 : i32
        %and3A_530 = vector.broadcast %and3A_529 : i32 to vector<16xi32>
        %and3A_531 = arith.andi %gather3A_522, %and3A_530 : vector<16xi32>
        %add3A_532 = arith.constant 14 : i32
        %add3A_533 = vector.broadcast %add3A_532 : i32 to vector<16xi32>
        %add3A_534 = arith.addi %and3A_531, %add3A_533 : vector<16xi32>
        %jit3A_535 = arith.constant 16 : i32
        %div3A_536 = vector.broadcast %jit3A_535 : i32 to vector<16xi32>
        %div3A_537 = arith.divsi %add3A_528, %div3A_536 : vector<16xi32>
        %sign3A_538 = arith.constant 0 : i32
        %sign3A_539 = vector.broadcast %sign3A_538 : i32 to vector<16xi32>
        %sign3A_540 = arith.cmpi sgt, %add3A_528, %sign3A_539 : vector<16xi32>
        %sign3A_541 = arith.extui %sign3A_540 : vector<16xi1> to vector<16xi32>
        %sign3A_542 = arith.constant 0 : i32
        %sign3A_543 = vector.broadcast %sign3A_542 : i32 to vector<16xi32>
        %sign3A_544 = arith.cmpi slt, %add3A_528, %sign3A_543 : vector<16xi32>
        %sign3A_545 = arith.extui %sign3A_544 : vector<16xi1> to vector<16xi32>
        %sign3A_546 = arith.subi %sign3A_541, %sign3A_545 : vector<16xi32>
        %sign3A_547 = arith.constant 0 : i32
        %sign3A_548 = arith.cmpi sgt, %jit3A_535, %sign3A_547 : i32
        %sign3A_549 = arith.extui %sign3A_548 : i1 to i32
        %sign3A_550 = arith.constant 0 : i32
        %sign3A_551 = arith.cmpi slt, %jit3A_535, %sign3A_550 : i32
        %sign3A_552 = arith.extui %sign3A_551 : i1 to i32
        %sign3A_553 = arith.subi %sign3A_549, %sign3A_552 : i32
        %ne3A_554 = vector.broadcast %sign3A_553 : i32 to vector<16xi32>
        %ne3A_555 = arith.cmpi ne, %sign3A_546, %ne3A_554 : vector<16xi32>
        %rem3A_556 = vector.broadcast %jit3A_535 : i32 to vector<16xi32>
        %rem3A_557 = arith.remsi %add3A_528, %rem3A_556 : vector<16xi32>
        %ne3A_558 = arith.constant 0 : i32
        %ne3A_559 = vector.broadcast %ne3A_558 : i32 to vector<16xi32>
        %ne3A_560 = arith.cmpi ne, %rem3A_557, %ne3A_559 : vector<16xi32>
        %and3A_561 = arith.andi %ne3A_555, %ne3A_560 : vector<16xi1>
        %sub3A_562 = arith.constant 1 : i32
        %sub3A_563 = vector.broadcast %sub3A_562 : i32 to vector<16xi32>
        %sub3A_564 = arith.subi %div3A_537, %sub3A_563 : vector<16xi32>
        %select_n3A_565 = arith.select %and3A_561, %sub3A_564, %div3A_537 : vector<16xi1>, vector<16xi32>
        %mul3A_566 = arith.constant 5 : i32
        %mul3A_567 = vector.broadcast %mul3A_566 : i32 to vector<16xi32>
        %mul3A_568 = arith.muli %select_n3A_565, %mul3A_567 : vector<16xi32>
        %jit3A_569 = arith.constant 16 : i32
        %div3A_570 = vector.broadcast %jit3A_569 : i32 to vector<16xi32>
        %div3A_571 = arith.divsi %add3A_534, %div3A_570 : vector<16xi32>
        %sign3A_572 = arith.constant 0 : i32
        %sign3A_573 = vector.broadcast %sign3A_572 : i32 to vector<16xi32>
        %sign3A_574 = arith.cmpi sgt, %add3A_534, %sign3A_573 : vector<16xi32>
        %sign3A_575 = arith.extui %sign3A_574 : vector<16xi1> to vector<16xi32>
        %sign3A_576 = arith.constant 0 : i32
        %sign3A_577 = vector.broadcast %sign3A_576 : i32 to vector<16xi32>
        %sign3A_578 = arith.cmpi slt, %add3A_534, %sign3A_577 : vector<16xi32>
        %sign3A_579 = arith.extui %sign3A_578 : vector<16xi1> to vector<16xi32>
        %sign3A_580 = arith.subi %sign3A_575, %sign3A_579 : vector<16xi32>
        %sign3A_581 = arith.constant 0 : i32
        %sign3A_582 = arith.cmpi sgt, %jit3A_569, %sign3A_581 : i32
        %sign3A_583 = arith.extui %sign3A_582 : i1 to i32
        %sign3A_584 = arith.constant 0 : i32
        %sign3A_585 = arith.cmpi slt, %jit3A_569, %sign3A_584 : i32
        %sign3A_586 = arith.extui %sign3A_585 : i1 to i32
        %sign3A_587 = arith.subi %sign3A_583, %sign3A_586 : i32
        %ne3A_588 = vector.broadcast %sign3A_587 : i32 to vector<16xi32>
        %ne3A_589 = arith.cmpi ne, %sign3A_580, %ne3A_588 : vector<16xi32>
        %rem3A_590 = vector.broadcast %jit3A_569 : i32 to vector<16xi32>
        %rem3A_591 = arith.remsi %add3A_534, %rem3A_590 : vector<16xi32>
        %ne3A_592 = arith.constant 0 : i32
        %ne3A_593 = vector.broadcast %ne3A_592 : i32 to vector<16xi32>
        %ne3A_594 = arith.cmpi ne, %rem3A_591, %ne3A_593 : vector<16xi32>
        %and3A_595 = arith.andi %ne3A_589, %ne3A_594 : vector<16xi1>
        %sub3A_596 = arith.constant 1 : i32
        %sub3A_597 = vector.broadcast %sub3A_596 : i32 to vector<16xi32>
        %sub3A_598 = arith.subi %div3A_571, %sub3A_597 : vector<16xi32>
        %select_n3A_599 = arith.select %and3A_595, %sub3A_598, %div3A_571 : vector<16xi1>, vector<16xi32>
        %add3A_600 = arith.addi %mul3A_568, %select_n3A_599 : vector<16xi32>
        %mul3A_601 = arith.constant 25 : i32
        %mul3A_602 = vector.broadcast %mul3A_601 : i32 to vector<16xi32>
        %mul3A_603 = arith.muli %min3A_24, %mul3A_602 : vector<16xi32>
        %add3A_604 = vector.broadcast %scan3A_509 : i32 to vector<16xi32>
        %add3A_605 = arith.addi %mul3A_603, %add3A_604 : vector<16xi32>
        %add3A_606 = arith.constant 1920 : i32
        %add3A_607 = vector.broadcast %add3A_606 : i32 to vector<16xi32>
        %add3A_608 = arith.addi %add3A_607, %add3A_605 : vector<16xi32>
        %gather3A_609 = tpu.vector_load_idx %arg4[%add3A_608] : memref<2560xi32, #tpu.memory_space<vmem>>[vector<16xi32>], vector<16xi32>,
        %shift_right_arithmetic3A_610 = arith.constant 8 : i32
        %shift_right_arithmetic3A_611 = vector.broadcast %shift_right_arithmetic3A_610 : i32 to vector<16xi32>
        %shift_right_arithmetic3A_612 = arith.shrsi %gather3A_609, %shift_right_arithmetic3A_611 : vector<16xi32>
        %add3A_613 = arith.constant 14 : i32
        %add3A_614 = vector.broadcast %add3A_613 : i32 to vector<16xi32>
        %add3A_615 = arith.addi %shift_right_arithmetic3A_612, %add3A_614 : vector<16xi32>
        %and3A_616 = arith.constant 255 : i32
        %and3A_617 = vector.broadcast %and3A_616 : i32 to vector<16xi32>
        %and3A_618 = arith.andi %gather3A_609, %and3A_617 : vector<16xi32>
        %add3A_619 = arith.constant 14 : i32
        %add3A_620 = vector.broadcast %add3A_619 : i32 to vector<16xi32>
        %add3A_621 = arith.addi %and3A_618, %add3A_620 : vector<16xi32>
        %jit3A_622 = arith.constant 16 : i32
        %div3A_623 = vector.broadcast %jit3A_622 : i32 to vector<16xi32>
        %div3A_624 = arith.divsi %add3A_615, %div3A_623 : vector<16xi32>
        %sign3A_625 = arith.constant 0 : i32
        %sign3A_626 = vector.broadcast %sign3A_625 : i32 to vector<16xi32>
        %sign3A_627 = arith.cmpi sgt, %add3A_615, %sign3A_626 : vector<16xi32>
        %sign3A_628 = arith.extui %sign3A_627 : vector<16xi1> to vector<16xi32>
        %sign3A_629 = arith.constant 0 : i32
        %sign3A_630 = vector.broadcast %sign3A_629 : i32 to vector<16xi32>
        %sign3A_631 = arith.cmpi slt, %add3A_615, %sign3A_630 : vector<16xi32>
        %sign3A_632 = arith.extui %sign3A_631 : vector<16xi1> to vector<16xi32>
        %sign3A_633 = arith.subi %sign3A_628, %sign3A_632 : vector<16xi32>
        %sign3A_634 = arith.constant 0 : i32
        %sign3A_635 = arith.cmpi sgt, %jit3A_622, %sign3A_634 : i32
        %sign3A_636 = arith.extui %sign3A_635 : i1 to i32
        %sign3A_637 = arith.constant 0 : i32
        %sign3A_638 = arith.cmpi slt, %jit3A_622, %sign3A_637 : i32
        %sign3A_639 = arith.extui %sign3A_638 : i1 to i32
        %sign3A_640 = arith.subi %sign3A_636, %sign3A_639 : i32
        %ne3A_641 = vector.broadcast %sign3A_640 : i32 to vector<16xi32>
        %ne3A_642 = arith.cmpi ne, %sign3A_633, %ne3A_641 : vector<16xi32>
        %rem3A_643 = vector.broadcast %jit3A_622 : i32 to vector<16xi32>
        %rem3A_644 = arith.remsi %add3A_615, %rem3A_643 : vector<16xi32>
        %ne3A_645 = arith.constant 0 : i32
        %ne3A_646 = vector.broadcast %ne3A_645 : i32 to vector<16xi32>
        %ne3A_647 = arith.cmpi ne, %rem3A_644, %ne3A_646 : vector<16xi32>
        %and3A_648 = arith.andi %ne3A_642, %ne3A_647 : vector<16xi1>
        %sub3A_649 = arith.constant 1 : i32
        %sub3A_650 = vector.broadcast %sub3A_649 : i32 to vector<16xi32>
        %sub3A_651 = arith.subi %div3A_624, %sub3A_650 : vector<16xi32>
        %select_n3A_652 = arith.select %and3A_648, %sub3A_651, %div3A_624 : vector<16xi1>, vector<16xi32>
        %mul3A_653 = arith.constant 5 : i32
        %mul3A_654 = vector.broadcast %mul3A_653 : i32 to vector<16xi32>
        %mul3A_655 = arith.muli %select_n3A_652, %mul3A_654 : vector<16xi32>
        %jit3A_656 = arith.constant 16 : i32
        %div3A_657 = vector.broadcast %jit3A_656 : i32 to vector<16xi32>
        %div3A_658 = arith.divsi %add3A_621, %div3A_657 : vector<16xi32>
        %sign3A_659 = arith.constant 0 : i32
        %sign3A_660 = vector.broadcast %sign3A_659 : i32 to vector<16xi32>
        %sign3A_661 = arith.cmpi sgt, %add3A_621, %sign3A_660 : vector<16xi32>
        %sign3A_662 = arith.extui %sign3A_661 : vector<16xi1> to vector<16xi32>
        %sign3A_663 = arith.constant 0 : i32
        %sign3A_664 = vector.broadcast %sign3A_663 : i32 to vector<16xi32>
        %sign3A_665 = arith.cmpi slt, %add3A_621, %sign3A_664 : vector<16xi32>
        %sign3A_666 = arith.extui %sign3A_665 : vector<16xi1> to vector<16xi32>
        %sign3A_667 = arith.subi %sign3A_662, %sign3A_666 : vector<16xi32>
        %sign3A_668 = arith.constant 0 : i32
        %sign3A_669 = arith.cmpi sgt, %jit3A_656, %sign3A_668 : i32
        %sign3A_670 = arith.extui %sign3A_669 : i1 to i32
        %sign3A_671 = arith.constant 0 : i32
        %sign3A_672 = arith.cmpi slt, %jit3A_656, %sign3A_671 : i32
        %sign3A_673 = arith.extui %sign3A_672 : i1 to i32
        %sign3A_674 = arith.subi %sign3A_670, %sign3A_673 : i32
        %ne3A_675 = vector.broadcast %sign3A_674 : i32 to vector<16xi32>
        %ne3A_676 = arith.cmpi ne, %sign3A_667, %ne3A_675 : vector<16xi32>
        %rem3A_677 = vector.broadcast %jit3A_656 : i32 to vector<16xi32>
        %rem3A_678 = arith.remsi %add3A_621, %rem3A_677 : vector<16xi32>
        %ne3A_679 = arith.constant 0 : i32
        %ne3A_680 = vector.broadcast %ne3A_679 : i32 to vector<16xi32>
        %ne3A_681 = arith.cmpi ne, %rem3A_678, %ne3A_680 : vector<16xi32>
        %and3A_682 = arith.andi %ne3A_676, %ne3A_681 : vector<16xi1>
        %sub3A_683 = arith.constant 1 : i32
        %sub3A_684 = vector.broadcast %sub3A_683 : i32 to vector<16xi32>
        %sub3A_685 = arith.subi %div3A_658, %sub3A_684 : vector<16xi32>
        %select_n3A_686 = arith.select %and3A_682, %sub3A_685, %div3A_658 : vector<16xi1>, vector<16xi32>
        %add3A_687 = arith.addi %mul3A_655, %select_n3A_686 : vector<16xi32>
        %min3A_688 = arith.minsi %scan3A_510, %add3A_600 : vector<16xi32>
        %max3A_689 = arith.maxsi %scan3A_511, %add3A_600 : vector<16xi32>
        %min3A_690 = arith.minsi %scan3A_512, %add3A_687 : vector<16xi32>
        %max3A_691 = arith.maxsi %scan3A_513, %add3A_687 : vector<16xi32>
        scf.yield %min3A_688, %max3A_689, %min3A_690, %max3A_691 : vector<16xi32>, vector<16xi32>, vector<16xi32>, vector<16xi32>
      }
      %scan3A_201 = arith.constant 24 : i32
      %lt3A_202 = arith.constant 25 : i32
      %lt3A_203 = vector.broadcast %lt3A_202 : i32 to vector<16xi32>
      %lt3A_204 = arith.cmpi slt, %iota3A, %lt3A_203 : vector<16xi32>
      %mul3A_205 = arith.constant 75 : i32
      %mul3A_206 = vector.broadcast %mul3A_205 : i32 to vector<16xi32>
      %mul3A_207 = arith.muli %iota3A, %mul3A_206 : vector<16xi32>
      %mul3A_208 = arith.constant 3 : i32
      %mul3A_209 = vector.broadcast %mul3A_208 : i32 to vector<16xi32>
      %mul3A_210 = arith.muli %mul3A_209, %scan3A_200#0 : vector<16xi32>
      %add3A_211 = arith.addi %mul3A_207, %mul3A_210 : vector<16xi32>
      %gather3A_212 = tpu.vector_load_idx %arg4[%add3A_211] : memref<2560xi32, #tpu.memory_space<vmem>>[vector<16xi32>], vector<16xi32>,
      %bitcast3A = vector.bitcast %gather3A_212 : vector<16xi32> to vector<16xf32>
      %add3A_213 = arith.constant 1 : i32
      %add3A_214 = vector.broadcast %add3A_213 : i32 to vector<16xi32>
      %add3A_215 = arith.addi %add3A_211, %add3A_214 : vector<16xi32>
      %gather3A_216 = tpu.vector_load_idx %arg4[%add3A_215] : memref<2560xi32, #tpu.memory_space<vmem>>[vector<16xi32>], vector<16xi32>,
      %bitcast3A_217 = vector.bitcast %gather3A_216 : vector<16xi32> to vector<16xf32>
      %add3A_218 = arith.constant 2 : i32
      %add3A_219 = vector.broadcast %add3A_218 : i32 to vector<16xi32>
      %add3A_220 = arith.addi %add3A_211, %add3A_219 : vector<16xi32>
      %gather3A_221 = tpu.vector_load_idx %arg4[%add3A_220] : memref<2560xi32, #tpu.memory_space<vmem>>[vector<16xi32>], vector<16xi32>,
      %bitcast3A_222 = vector.bitcast %gather3A_221 : vector<16xi32> to vector<16xf32>
      %mul3A_223 = arith.constant 25 : i32
      %mul3A_224 = vector.broadcast %mul3A_223 : i32 to vector<16xi32>
      %mul3A_225 = arith.muli %iota3A, %mul3A_224 : vector<16xi32>
      %add3A_226 = arith.constant 24 : i32
      %add3A_227 = vector.broadcast %add3A_226 : i32 to vector<16xi32>
      %add3A_228 = arith.addi %mul3A_225, %add3A_227 : vector<16xi32>
      %add3A_229 = arith.constant 1920 : i32
      %add3A_230 = vector.broadcast %add3A_229 : i32 to vector<16xi32>
      %add3A_231 = arith.addi %add3A_230, %add3A_228 : vector<16xi32>
      %gather3A_232 = tpu.vector_load_idx %arg4[%add3A_231] : memref<2560xi32, #tpu.memory_space<vmem>>[vector<16xi32>], vector<16xi32>,
      %shift_right_arithmetic3A_233 = arith.constant 8 : i32
      %shift_right_arithmetic3A_234 = vector.broadcast %shift_right_arithmetic3A_233 : i32 to vector<16xi32>
      %shift_right_arithmetic3A_235 = arith.shrsi %gather3A_232, %shift_right_arithmetic3A_234 : vector<16xi32>
      %add3A_236 = arith.constant 14 : i32
      %add3A_237 = vector.broadcast %add3A_236 : i32 to vector<16xi32>
      %add3A_238 = arith.addi %shift_right_arithmetic3A_235, %add3A_237 : vector<16xi32>
      %and3A_239 = arith.constant 255 : i32
      %and3A_240 = vector.broadcast %and3A_239 : i32 to vector<16xi32>
      %and3A_241 = arith.andi %gather3A_232, %and3A_240 : vector<16xi32>
      %add3A_242 = arith.constant 14 : i32
      %add3A_243 = vector.broadcast %add3A_242 : i32 to vector<16xi32>
      %add3A_244 = arith.addi %and3A_241, %add3A_243 : vector<16xi32>
      %jit3A_245 = arith.constant 16 : i32
      %eq3A_246 = arith.constant 0 : i32
      %eq3A_247 = arith.cmpi eq, %jit3A_245, %eq3A_246 : i32
      %jit3A_248 = arith.constant 1 : i32
      %select_n3A_249 = arith.select %eq3A_247, %jit3A_248, %jit3A_245 : i32
      %rem3A_250 = vector.broadcast %select_n3A_249 : i32 to vector<16xi32>
      %rem3A_251 = arith.remsi %add3A_238, %rem3A_250 : vector<16xi32>
      %ne3A_252 = arith.constant 0 : i32
      %ne3A_253 = vector.broadcast %ne3A_252 : i32 to vector<16xi32>
      %ne3A_254 = arith.cmpi ne, %rem3A_251, %ne3A_253 : vector<16xi32>
      %lt3A_255 = arith.constant 0 : i32
      %lt3A_256 = vector.broadcast %lt3A_255 : i32 to vector<16xi32>
      %lt3A_257 = arith.cmpi slt, %rem3A_251, %lt3A_256 : vector<16xi32>
      %lt3A_258 = arith.constant 0 : i32
      %lt3A_259 = arith.cmpi slt, %select_n3A_249, %lt3A_258 : i32
      %ne3A_260 = vector.broadcast %lt3A_259 : i1 to vector<16xi1>
      %ne3A_261 = vector.broadcast %ne3A_260 : vector<16xi1> to vector<16xi1>
      %ne3A_262 = arith.xori %lt3A_257, %ne3A_261 : vector<16xi1>
      %and3A_263 = arith.andi %ne3A_262, %ne3A_254 : vector<16xi1>
      %add3A_264 = vector.broadcast %select_n3A_249 : i32 to vector<16xi32>
      %add3A_265 = arith.addi %rem3A_251, %add3A_264 : vector<16xi32>
      %select_n3A_266 = arith.select %and3A_263, %add3A_265, %rem3A_251 : vector<16xi1>, vector<16xi32>
      %convert_element_type3A_267 = arith.sitofp %select_n3A_266 : vector<16xi32> to vector<16xf32>
      %jit3A_268 = arith.constant 16 : i32
      %eq3A_269 = arith.constant 0 : i32
      %eq3A_270 = arith.cmpi eq, %jit3A_268, %eq3A_269 : i32
      %jit3A_271 = arith.constant 1 : i32
      %select_n3A_272 = arith.select %eq3A_270, %jit3A_271, %jit3A_268 : i32
      %rem3A_273 = vector.broadcast %select_n3A_272 : i32 to vector<16xi32>
      %rem3A_274 = arith.remsi %add3A_244, %rem3A_273 : vector<16xi32>
      %ne3A_275 = arith.constant 0 : i32
      %ne3A_276 = vector.broadcast %ne3A_275 : i32 to vector<16xi32>
      %ne3A_277 = arith.cmpi ne, %rem3A_274, %ne3A_276 : vector<16xi32>
      %lt3A_278 = arith.constant 0 : i32
      %lt3A_279 = vector.broadcast %lt3A_278 : i32 to vector<16xi32>
      %lt3A_280 = arith.cmpi slt, %rem3A_274, %lt3A_279 : vector<16xi32>
      %lt3A_281 = arith.constant 0 : i32
      %lt3A_282 = arith.cmpi slt, %select_n3A_272, %lt3A_281 : i32
      %ne3A_283 = vector.broadcast %lt3A_282 : i1 to vector<16xi1>
      %ne3A_284 = vector.broadcast %ne3A_283 : vector<16xi1> to vector<16xi1>
      %ne3A_285 = arith.xori %lt3A_280, %ne3A_284 : vector<16xi1>
      %and3A_286 = arith.andi %ne3A_285, %ne3A_277 : vector<16xi1>
      %add3A_287 = vector.broadcast %select_n3A_272 : i32 to vector<16xi32>
      %add3A_288 = arith.addi %rem3A_274, %add3A_287 : vector<16xi32>
      %select_n3A_289 = arith.select %and3A_286, %add3A_288, %rem3A_274 : vector<16xi1>, vector<16xi32>
      %convert_element_type3A_290 = arith.sitofp %select_n3A_289 : vector<16xi32> to vector<16xf32>
      %mul3A_291 = arith.constant 1.600000e+01 : f32
      %mul3A_292 = vector.broadcast %mul3A_291 : f32 to vector<16xf32>
      %mul3A_293 = arith.mulf %bitcast3A_217, %mul3A_292 : vector<16xf32>
      %sub3A_294 = arith.subf %mul3A_293, %convert_element_type3A_267 : vector<16xf32>
      %abs3A = math.absf %sub3A_294 : vector<16xf32>
      %mul3A_295 = arith.constant 1.600000e+01 : f32
      %mul3A_296 = vector.broadcast %mul3A_295 : f32 to vector<16xf32>
      %mul3A_297 = arith.mulf %bitcast3A_222, %mul3A_296 : vector<16xf32>
      %sub3A_298 = arith.subf %mul3A_297, %convert_element_type3A_290 : vector<16xf32>
      %abs3A_299 = math.absf %sub3A_298 : vector<16xf32>
      %mul3A_300 = arith.constant 2.000000e+00 : f32
      %mul3A_301 = vector.broadcast %mul3A_300 : f32 to vector<16xf32>
      %mul3A_302 = arith.mulf %mul3A_301, %abs3A : vector<16xf32>
      %sub3A_303 = arith.constant 2.800000e+01 : f32
      %sub3A_304 = vector.broadcast %sub3A_303 : f32 to vector<16xf32>
      %sub3A_305 = arith.subf %sub3A_304, %mul3A_302 : vector<16xf32>
      %max3A = arith.constant 0.000000e+00 : f32
      %max3A_306 = vector.broadcast %max3A : f32 to vector<16xf32>
      %max3A_307 = arith.maximumf %sub3A_305, %max3A_306 : vector<16xf32>
      %mul3A_308 = arith.constant 2.000000e+00 : f32
      %mul3A_309 = vector.broadcast %mul3A_308 : f32 to vector<16xf32>
      %mul3A_310 = arith.mulf %mul3A_309, %abs3A_299 : vector<16xf32>
      %sub3A_311 = arith.constant 2.800000e+01 : f32
      %sub3A_312 = vector.broadcast %sub3A_311 : f32 to vector<16xf32>
      %sub3A_313 = arith.subf %sub3A_312, %mul3A_310 : vector<16xf32>
      %max3A_314 = arith.constant 0.000000e+00 : f32
      %max3A_315 = vector.broadcast %max3A_314 : f32 to vector<16xf32>
      %max3A_316 = arith.maximumf %sub3A_313, %max3A_315 : vector<16xf32>
      %mul3A_317 = arith.mulf %max3A_307, %max3A_316 : vector<16xf32>
      %add3A_318 = arith.constant 2.800000e+01 : f32
      %add3A_319 = vector.broadcast %add3A_318 : f32 to vector<16xf32>
      %add3A_320 = arith.addf %add3A_319, %abs3A : vector<16xf32>
      %add3A_321 = arith.constant 2.800000e+01 : f32
      %add3A_322 = vector.broadcast %add3A_321 : f32 to vector<16xf32>
      %add3A_323 = arith.addf %add3A_322, %abs3A_299 : vector<16xf32>
      %mul3A_324 = arith.mulf %add3A_320, %add3A_323 : vector<16xf32>
      %div3A_325 = arith.divf %mul3A_317, %mul3A_324 : vector<16xf32>
      %sub3A_326 = arith.subf %bitcast3A, %div3A_325 : vector<16xf32>
      %mul3A_327 = arith.mulf %sub3A_326, %sub3A_326 : vector<16xf32>
      %mul3A_328 = arith.constant 5.000000e-01 : f32
      %mul3A_329 = vector.broadcast %mul3A_328 : f32 to vector<16xf32>
      %mul3A_330 = arith.mulf %mul3A_329, %bitcast3A : vector<16xf32>
      %mul3A_331 = arith.mulf %mul3A_330, %bitcast3A : vector<16xf32>
      %sub3A_332 = arith.subf %mul3A_327, %mul3A_331 : vector<16xf32>
      %eq3A_333 = arith.cmpi eq, %scan3A_200#0, %scan3A_200#1 : vector<16xi32>
      %jit3A_334 = arith.constant 0.000000e+00 : f32
      %broadcast_in_dim3A_335 = vector.broadcast %jit3A_334 : f32 to vector<16xf32>
      %select_n3A_336 = arith.select %eq3A_333, %sub3A_332, %broadcast_in_dim3A_335 : vector<16xi1>, vector<16xf32>
      %jit3A_337 = arith.constant 0.000000e+00 : f32
      %broadcast_in_dim3A_338 = vector.broadcast %jit3A_337 : f32 to vector<16xf32>
      %select_n3A_339 = arith.select %lt3A_204, %select_n3A_336, %broadcast_in_dim3A_338 : vector<16xi1>, vector<16xf32>
      %mul3A_340 = arith.constant 75 : i32
      %mul3A_341 = vector.broadcast %mul3A_340 : i32 to vector<16xi32>
      %mul3A_342 = arith.muli %min3A_24, %mul3A_341 : vector<16xi32>
      %mul3A_343 = arith.constant 3 : i32
      %mul3A_344 = vector.broadcast %mul3A_343 : i32 to vector<16xi32>
      %mul3A_345 = arith.muli %mul3A_344, %scan3A_200#2 : vector<16xi32>
      %add3A_346 = arith.addi %mul3A_342, %mul3A_345 : vector<16xi32>
      %gather3A_347 = tpu.vector_load_idx %arg4[%add3A_346] : memref<2560xi32, #tpu.memory_space<vmem>>[vector<16xi32>], vector<16xi32>,
      %bitcast3A_348 = vector.bitcast %gather3A_347 : vector<16xi32> to vector<16xf32>
      %add3A_349 = arith.constant 1 : i32
      %add3A_350 = vector.broadcast %add3A_349 : i32 to vector<16xi32>
      %add3A_351 = arith.addi %add3A_346, %add3A_350 : vector<16xi32>
      %gather3A_352 = tpu.vector_load_idx %arg4[%add3A_351] : memref<2560xi32, #tpu.memory_space<vmem>>[vector<16xi32>], vector<16xi32>,
      %bitcast3A_353 = vector.bitcast %gather3A_352 : vector<16xi32> to vector<16xf32>
      %add3A_354 = arith.constant 2 : i32
      %add3A_355 = vector.broadcast %add3A_354 : i32 to vector<16xi32>
      %add3A_356 = arith.addi %add3A_346, %add3A_355 : vector<16xi32>
      %gather3A_357 = tpu.vector_load_idx %arg4[%add3A_356] : memref<2560xi32, #tpu.memory_space<vmem>>[vector<16xi32>], vector<16xi32>,
      %bitcast3A_358 = vector.bitcast %gather3A_357 : vector<16xi32> to vector<16xf32>
      %mul3A_359 = arith.constant 25 : i32
      %mul3A_360 = vector.broadcast %mul3A_359 : i32 to vector<16xi32>
      %mul3A_361 = arith.muli %min3A_24, %mul3A_360 : vector<16xi32>
      %add3A_362 = arith.constant 24 : i32
      %add3A_363 = vector.broadcast %add3A_362 : i32 to vector<16xi32>
      %add3A_364 = arith.addi %mul3A_361, %add3A_363 : vector<16xi32>
      %add3A_365 = arith.constant 1920 : i32
      %add3A_366 = vector.broadcast %add3A_365 : i32 to vector<16xi32>
      %add3A_367 = arith.addi %add3A_366, %add3A_364 : vector<16xi32>
      %gather3A_368 = tpu.vector_load_idx %arg4[%add3A_367] : memref<2560xi32, #tpu.memory_space<vmem>>[vector<16xi32>], vector<16xi32>,
      %shift_right_arithmetic3A_369 = arith.constant 8 : i32
      %shift_right_arithmetic3A_370 = vector.broadcast %shift_right_arithmetic3A_369 : i32 to vector<16xi32>
      %shift_right_arithmetic3A_371 = arith.shrsi %gather3A_368, %shift_right_arithmetic3A_370 : vector<16xi32>
      %add3A_372 = arith.constant 14 : i32
      %add3A_373 = vector.broadcast %add3A_372 : i32 to vector<16xi32>
      %add3A_374 = arith.addi %shift_right_arithmetic3A_371, %add3A_373 : vector<16xi32>
      %and3A_375 = arith.constant 255 : i32
      %and3A_376 = vector.broadcast %and3A_375 : i32 to vector<16xi32>
      %and3A_377 = arith.andi %gather3A_368, %and3A_376 : vector<16xi32>
      %add3A_378 = arith.constant 14 : i32
      %add3A_379 = vector.broadcast %add3A_378 : i32 to vector<16xi32>
      %add3A_380 = arith.addi %and3A_377, %add3A_379 : vector<16xi32>
      %jit3A_381 = arith.constant 16 : i32
      %eq3A_382 = arith.constant 0 : i32
      %eq3A_383 = arith.cmpi eq, %jit3A_381, %eq3A_382 : i32
      %jit3A_384 = arith.constant 1 : i32
      %select_n3A_385 = arith.select %eq3A_383, %jit3A_384, %jit3A_381 : i32
      %rem3A_386 = vector.broadcast %select_n3A_385 : i32 to vector<16xi32>
      %rem3A_387 = arith.remsi %add3A_374, %rem3A_386 : vector<16xi32>
      %ne3A_388 = arith.constant 0 : i32
      %ne3A_389 = vector.broadcast %ne3A_388 : i32 to vector<16xi32>
      %ne3A_390 = arith.cmpi ne, %rem3A_387, %ne3A_389 : vector<16xi32>
      %lt3A_391 = arith.constant 0 : i32
      %lt3A_392 = vector.broadcast %lt3A_391 : i32 to vector<16xi32>
      %lt3A_393 = arith.cmpi slt, %rem3A_387, %lt3A_392 : vector<16xi32>
      %lt3A_394 = arith.constant 0 : i32
      %lt3A_395 = arith.cmpi slt, %select_n3A_385, %lt3A_394 : i32
      %ne3A_396 = vector.broadcast %lt3A_395 : i1 to vector<16xi1>
      %ne3A_397 = vector.broadcast %ne3A_396 : vector<16xi1> to vector<16xi1>
      %ne3A_398 = arith.xori %lt3A_393, %ne3A_397 : vector<16xi1>
      %and3A_399 = arith.andi %ne3A_398, %ne3A_390 : vector<16xi1>
      %add3A_400 = vector.broadcast %select_n3A_385 : i32 to vector<16xi32>
      %add3A_401 = arith.addi %rem3A_387, %add3A_400 : vector<16xi32>
      %select_n3A_402 = arith.select %and3A_399, %add3A_401, %rem3A_387 : vector<16xi1>, vector<16xi32>
      %convert_element_type3A_403 = arith.sitofp %select_n3A_402 : vector<16xi32> to vector<16xf32>
      %jit3A_404 = arith.constant 16 : i32
      %eq3A_405 = arith.constant 0 : i32
      %eq3A_406 = arith.cmpi eq, %jit3A_404, %eq3A_405 : i32
      %jit3A_407 = arith.constant 1 : i32
      %select_n3A_408 = arith.select %eq3A_406, %jit3A_407, %jit3A_404 : i32
      %rem3A_409 = vector.broadcast %select_n3A_408 : i32 to vector<16xi32>
      %rem3A_410 = arith.remsi %add3A_380, %rem3A_409 : vector<16xi32>
      %ne3A_411 = arith.constant 0 : i32
      %ne3A_412 = vector.broadcast %ne3A_411 : i32 to vector<16xi32>
      %ne3A_413 = arith.cmpi ne, %rem3A_410, %ne3A_412 : vector<16xi32>
      %lt3A_414 = arith.constant 0 : i32
      %lt3A_415 = vector.broadcast %lt3A_414 : i32 to vector<16xi32>
      %lt3A_416 = arith.cmpi slt, %rem3A_410, %lt3A_415 : vector<16xi32>
      %lt3A_417 = arith.constant 0 : i32
      %lt3A_418 = arith.cmpi slt, %select_n3A_408, %lt3A_417 : i32
      %ne3A_419 = vector.broadcast %lt3A_418 : i1 to vector<16xi1>
      %ne3A_420 = vector.broadcast %ne3A_419 : vector<16xi1> to vector<16xi1>
      %ne3A_421 = arith.xori %lt3A_416, %ne3A_420 : vector<16xi1>
      %and3A_422 = arith.andi %ne3A_421, %ne3A_413 : vector<16xi1>
      %add3A_423 = vector.broadcast %select_n3A_408 : i32 to vector<16xi32>
      %add3A_424 = arith.addi %rem3A_410, %add3A_423 : vector<16xi32>
      %select_n3A_425 = arith.select %and3A_422, %add3A_424, %rem3A_410 : vector<16xi1>, vector<16xi32>
      %convert_element_type3A_426 = arith.sitofp %select_n3A_425 : vector<16xi32> to vector<16xf32>
      %mul3A_427 = arith.constant 1.600000e+01 : f32
      %mul3A_428 = vector.broadcast %mul3A_427 : f32 to vector<16xf32>
      %mul3A_429 = arith.mulf %bitcast3A_353, %mul3A_428 : vector<16xf32>
      %sub3A_430 = arith.subf %mul3A_429, %convert_element_type3A_403 : vector<16xf32>
      %abs3A_431 = math.absf %sub3A_430 : vector<16xf32>
      %mul3A_432 = arith.constant 1.600000e+01 : f32
      %mul3A_433 = vector.broadcast %mul3A_432 : f32 to vector<16xf32>
      %mul3A_434 = arith.mulf %bitcast3A_358, %mul3A_433 : vector<16xf32>
      %sub3A_435 = arith.subf %mul3A_434, %convert_element_type3A_426 : vector<16xf32>
      %abs3A_436 = math.absf %sub3A_435 : vector<16xf32>
      %mul3A_437 = arith.constant 2.000000e+00 : f32
      %mul3A_438 = vector.broadcast %mul3A_437 : f32 to vector<16xf32>
      %mul3A_439 = arith.mulf %mul3A_438, %abs3A_431 : vector<16xf32>
      %sub3A_440 = arith.constant 2.800000e+01 : f32
      %sub3A_441 = vector.broadcast %sub3A_440 : f32 to vector<16xf32>
      %sub3A_442 = arith.subf %sub3A_441, %mul3A_439 : vector<16xf32>
      %max3A_443 = arith.constant 0.000000e+00 : f32
      %max3A_444 = vector.broadcast %max3A_443 : f32 to vector<16xf32>
      %max3A_445 = arith.maximumf %sub3A_442, %max3A_444 : vector<16xf32>
      %mul3A_446 = arith.constant 2.000000e+00 : f32
      %mul3A_447 = vector.broadcast %mul3A_446 : f32 to vector<16xf32>
      %mul3A_448 = arith.mulf %mul3A_447, %abs3A_436 : vector<16xf32>
      %sub3A_449 = arith.constant 2.800000e+01 : f32
      %sub3A_450 = vector.broadcast %sub3A_449 : f32 to vector<16xf32>
      %sub3A_451 = arith.subf %sub3A_450, %mul3A_448 : vector<16xf32>
      %max3A_452 = arith.constant 0.000000e+00 : f32
      %max3A_453 = vector.broadcast %max3A_452 : f32 to vector<16xf32>
      %max3A_454 = arith.maximumf %sub3A_451, %max3A_453 : vector<16xf32>
      %mul3A_455 = arith.mulf %max3A_445, %max3A_454 : vector<16xf32>
      %add3A_456 = arith.constant 2.800000e+01 : f32
      %add3A_457 = vector.broadcast %add3A_456 : f32 to vector<16xf32>
      %add3A_458 = arith.addf %add3A_457, %abs3A_431 : vector<16xf32>
      %add3A_459 = arith.constant 2.800000e+01 : f32
      %add3A_460 = vector.broadcast %add3A_459 : f32 to vector<16xf32>
      %add3A_461 = arith.addf %add3A_460, %abs3A_436 : vector<16xf32>
      %mul3A_462 = arith.mulf %add3A_458, %add3A_461 : vector<16xf32>
      %div3A_463 = arith.divf %mul3A_455, %mul3A_462 : vector<16xf32>
      %sub3A_464 = arith.subf %bitcast3A_348, %div3A_463 : vector<16xf32>
      %mul3A_465 = arith.mulf %sub3A_464, %sub3A_464 : vector<16xf32>
      %mul3A_466 = arith.constant 5.000000e-01 : f32
      %mul3A_467 = vector.broadcast %mul3A_466 : f32 to vector<16xf32>
      %mul3A_468 = arith.mulf %mul3A_467, %bitcast3A_348 : vector<16xf32>
      %mul3A_469 = arith.mulf %mul3A_468, %bitcast3A_348 : vector<16xf32>
      %sub3A_470 = arith.subf %mul3A_465, %mul3A_469 : vector<16xf32>
      %eq3A_471 = arith.cmpi eq, %scan3A_200#2, %scan3A_200#3 : vector<16xi32>
      %jit3A_472 = arith.constant 0.000000e+00 : f32
      %broadcast_in_dim3A_473 = vector.broadcast %jit3A_472 : f32 to vector<16xf32>
      %select_n3A_474 = arith.select %eq3A_471, %sub3A_470, %broadcast_in_dim3A_473 : vector<16xi1>, vector<16xf32>
      %jit3A_475 = arith.constant 0.000000e+00 : f32
      %broadcast_in_dim3A_476 = vector.broadcast %jit3A_475 : f32 to vector<16xf32>
      %select_n3A_477 = arith.select %lt3A_29, %select_n3A_474, %broadcast_in_dim3A_476 : vector<16xi1>, vector<16xf32>
      %add3A_478 = arith.addf %select_n3A_339, %select_n3A_477 : vector<16xf32>
      %reduce_sum3A_479 = arith.constant true
      %reduce_sum3A_480 = vector.broadcast %reduce_sum3A_479 : i1 to vector<16xi1>
      %reduce_sum3A_481 = tpu.scan <sum>, %add3A_478 masked %reduce_sum3A_480 : vector<16xf32>, vector<16xi1> -> vector<16xf32>
      %reduce_sum3A_482 = vector.extract %reduce_sum3A_481[15] : f32 from vector<16xf32>
      %add3A_483 = arith.addf %reduce_sum3A_19, %reduce_sum3A_482 : f32
      %mul3A_484 = arith.constant 1.600000e-03 : f32
      %mul3A_485 = arith.mulf %add3A_483, %mul3A_484 : f32
      %get3A = arith.constant 0 : index
      %get3A_486 = tpu.vector_load %arg5[%get3A] {strides = array<i32>} : memref<64xf32, #tpu.memory_space<vmem>>, vector<16xf32>,
      %get3A_487 = arith.constant 32 : index
      %get3A_488 = tpu.vector_load %arg5[%get3A_487] {strides = array<i32>} : memref<64xf32, #tpu.memory_space<vmem>>, vector<16xf32>,
      %add3A_489 = arith.addf %get3A_486, %get3A_488 : vector<16xf32>
      %mul3A_490 = arith.constant 2.000000e-01 : f32
      %mul3A_491 = vector.broadcast %mul3A_490 : f32 to vector<16xf32>
      %mul3A_492 = arith.mulf %add3A_489, %mul3A_491 : vector<16xf32>
      %add3A_493 = vector.broadcast %mul3A_485 : f32 to vector<16xf32>
      %add3A_494 = arith.addf %mul3A_492, %add3A_493 : vector<16xf32>
      %swap3A_495 = arith.constant 0 : index
      %swap3A_496 = tpu.vector_load %arg6[%swap3A_495] {strides = array<i32>} : memref<32xf32, #tpu.memory_space<vmem>>, vector<16xf32>,
      tpu.vector_store %arg6[%swap3A_495], %add3A_494 {strides = array<i32>} : memref<32xf32, #tpu.memory_space<vmem>>, vector<16xf32>,
      %get3A_497 = arith.constant 16 : index
      %get3A_498 = tpu.vector_load %arg5[%get3A_497] {strides = array<i32>} : memref<64xf32, #tpu.memory_space<vmem>>, vector<16xf32>,
      %get3A_499 = arith.constant 48 : index
      %get3A_500 = tpu.vector_load %arg5[%get3A_499] {strides = array<i32>} : memref<64xf32, #tpu.memory_space<vmem>>, vector<16xf32>,
      %add3A_501 = arith.addf %get3A_498, %get3A_500 : vector<16xf32>
      %mul3A_502 = arith.constant 2.000000e-01 : f32
      %mul3A_503 = vector.broadcast %mul3A_502 : f32 to vector<16xf32>
      %mul3A_504 = arith.mulf %add3A_501, %mul3A_503 : vector<16xf32>
      %add3A_505 = vector.broadcast %mul3A_485 : f32 to vector<16xf32>
      %add3A_506 = arith.addf %mul3A_504, %add3A_505 : vector<16xf32>
      %swap3A_507 = arith.constant 16 : index
      %swap3A_508 = tpu.vector_load %arg6[%swap3A_507] {strides = array<i32>} : memref<32xf32, #tpu.memory_space<vmem>>, vector<16xf32>,
      tpu.vector_store %arg6[%swap3A_507], %add3A_506 {strides = array<i32>} : memref<32xf32, #tpu.memory_space<vmem>>, vector<16xf32>,
      "tpu.region"() ({
        %run_scoped3A = tpu.sem_alloc : memref<!tpu.dma_semaphore, #tpu.memory_space<semaphore_mem>>
        tpu.enqueue_dma source(%arg6 : memref<32xf32, #tpu.memory_space<vmem>>) target(%arg3 : memref<32xf32, #tpu.memory_space<hbm>>) target_semaphore(%run_scoped3A : memref<!tpu.dma_semaphore, #tpu.memory_space<semaphore_mem>>)
        tpu.wait_dma2 semaphore(%run_scoped3A : memref<!tpu.dma_semaphore, #tpu.memory_space<semaphore_mem>>) src(%arg6 : memref<32xf32, #tpu.memory_space<vmem>>) dst(%arg3 : memref<32xf32, #tpu.memory_space<hbm>>)
        tpu.yield
      }) : () -> ()
    } else {
    }
    return
  }
}

</mosaic_0001>

<sc_bundles>
// kernel: kernel.3.cloned.1.call-start
scs
__scs_entry_jumppad:
0x0: {  	(pc) =	sbr.rel $0x88, $3  }
0x1: {  	(tag) =	ssettag $0x0;
	lr =	simm.s32 $0x1  }
0x2: {  	[smem:$0x3F9F] =	sst lr;
	_ =	strace $0xD0000000  }
0x3: {  	_ = 	snop  }
0x4: {  	_ = 	snop  }
0x5: {  	_ = 	snop  }
0x6: {  	_ = 	snop  }
0x7: {  	_ = 	snop  }
__scs_overlays_trampoline_lowered:
0x8: {  	[smem:$0x3FAE] =	sst s0  }
0x9: {  	[smem:$0x3FAF] =	sst s1  }
0xa: {  	[smem:$0x3FB0] =	sst s2  }
0xb: {  	[smem:$0x3FB1] =	sst s3  }
0xc: {  	[smem:$0x3FB2] =	sst s4  }
0xd: {  	[smem:$0x3FB3] =	sst s5  }
0xe: {  	[smem:$0x3FB4] =	sst s6  }
0xf: {  	[smem:$0x3FB5] =	sst s7  }
0x10: {  	[smem:$0x3FB6] =	sst s8  }
0x11: {  	[smem:$0x3FB7] =	sst s9;
	s0 =	simm.s32 @!p0 $0x0  }
0x12: {  	s1 =	sld [smem:$0x3F9D];
	s0 =	simm.s32 @p0 $0x1  }
0x13: {  	[smem:$0x3FB8] =	sst s0;
	s0 =	simm.s32 @!p1 $0x0  }
0x14: {  	s2 =	sld [smem:$0x3F9C];
	s0 =	simm.s32 @p1 $0x1  }
0x15: {  	[smem:$0x3FB9] =	sst s0;
	s0 =	simm.s32 @!p2 $0x0  }
0x16: {  	s3 =	sld [smem:$0x3FDB];
	s0 =	simm.s32 @p2 $0x1  }
0x17: {  	s4 =	simm.s32 $0x1BF5;
	[smem:$0x3FBB] =	sst s0  }
0x18: {  	s0 =	sld [smem:$0x3F9E];
	_ =	swait.ge [sflag:s4], $0x0  }
0x19: {  	s7 =	sld [smem:$0x3F9F]  }
0x1a: {  	s8 =	sadd.s32 $0xFFFFE003, lr  }
0x1b: {  	s9 =	sadd.s32 $0xFFFFFEF7, lr;
	s5 =	simm.s32 $0xFFFFFFFF;
	p2 =	slt.u32 s8, $0xFFFFF086  }
0x1c: {  	p1 =	slt.u32 s9, $0xF7A;
	s5 =	simm.s32 @!p2 $0x0  }
0x1d: {  	s5 =	simm.s32 @p1 $0x1;
	p0 =	seq.s32 s7, s2  }
0x1e: {  	s7 =	smul.u32 @!p0 $0xF7A, s2;
	p2 =	seq.s32 @!p0 s5, $0x0  }
0x1f: {  	s9 =	smul.u32 $0xF7A, s1;
	s8 =	simm.s32 @!p0 $0x1BF5;
	p2 =	por !p2, p0  }
0x20: {  	[sflag:s8] =	ssyncset.s32 @!p0 $0xFFFFF086;
	s6 =	sadd.s32 @!p0 s3, s7;
	s7 =	simm.s32 @!p0 $0x108  }
0x21: {  	s3 =	sadd.s32 s3, s9;
	s6 =	sadd.s32 @!p0 $0x88, s6;
	s7 =	simm.s32 @p2 $0x1082  }
0x22: {  	[simem:s7], [sflag:s8] =	dma.local @!p0 [hbm:s6], $0xF7A  }
0x23: {  	s9 =	sor.u32 $0xD0000000, s2;
	s6 =	simm.s32 $0x108;
	_ =	swait.ge @!p0 [sflag:s8], $0x0  }
0x24: {  	s3 =	sadd.s32 $0x88, s3;
	s6 =	simm.s32 @!p1 $0x1082;
	[sflag:s4] =	ssyncset.s32 $0xFFFFF086  }
0x25: {  	[simem:s6], [sflag:s4] =	dma.local [hbm:s3], $0xF7A  }
0x26: {  	[smem:$0x3F9F] =	sst s1;
	(tag) =	ssettag s2;
	_ =	strace s9  }
0x27: {  	s1 =	sld [smem:$0x3FAF]  }
0x28: {  	s2 =	sld [smem:$0x3FB0]  }
0x29: {  	s4 =	sld [smem:$0x3FB2]  }
0x2a: {  	p0 =	seq.s32 s5, $0x0;
	s5 =	sld [smem:$0x3FB3]  }
0x2b: {  	s6 =	sld [smem:$0x3FB4]  }
0x2c: {  	s7 =	sld [smem:$0x3FB5]  }
0x2d: {  	s3 =	simm.s32 $0x108;
	s8 =	sld [smem:$0x3FB6]  }
0x2e: {  	s3 =	simm.s32 @!p0 $0x1082;
	s9 =	sld [smem:$0x3FB7]  }
0x2f: {  	lr =	sadd.s32 s0, s3;
	s0 =	sld [smem:$0x3FAE]  }
0x30: {  	s3 =	sld [smem:$0x3FB1]  }
0x31: {  	[smem:$0x3FBA] =	sst s10  }
0x32: {  	s10 =	sld [smem:$0x3FB8];
	_ =	sdelay $0x3  }
0x33: {  	p0 =	seq.s32 s10, $0x1;
	s10 =	sld [smem:$0x3FBA];
	_ =	sdelay $0x3  }
0x34: {  	[smem:$0x3FBA] =	sst s10  }
0x35: {  	s10 =	sld [smem:$0x3FB9];
	_ =	sdelay $0x3  }
0x36: {  	p1 =	seq.s32 s10, $0x1;
	s10 =	sld [smem:$0x3FBA];
	_ =	sdelay $0x3  }
0x37: {  	[smem:$0x3FBA] =	sst s10  }
0x38: {  	s10 =	sld [smem:$0x3FBB]  }
0x39: {  	_ = 	snop;
	(pc) =	sbr.ind lr, $3  }
0x3a: {  	_ = 	snop  }
0x3b: {  	_ = 	snop  }
0x3c: {  	p2 =	seq.s32 s10, $0x1;
	s10 =	sld [smem:$0x3FBA]  }
0x3d: {  	_ =	shalt  }
0x3e: {  	_ =	shalt  }
0x3f: {  	_ =	shalt  }
0x40: {  	_ =	shalt  }
0x41: {  	_ =	shalt  }
0x42: {  	_ =	shalt  }
0x43: {  	_ =	shalt  }
0x44: {  	_ =	shalt  }
0x45: {  	_ =	shalt  }
0x46: {  	_ =	shalt  }
0x47: {  	_ =	shalt  }
0x48: {  	_ =	shalt  }
0x49: {  	_ =	shalt  }
0x4a: {  	_ =	shalt  }
0x4b: {  	_ =	shalt  }
0x4c: {  	_ =	shalt  }
0x4d: {  	_ =	shalt  }
0x4e: {  	_ =	shalt  }
0x4f: {  	_ =	shalt  }
0x50: {  	_ =	shalt  }
0x51: {  	_ =	shalt  }
0x52: {  	_ =	shalt  }
0x53: {  	_ =	shalt  }
0x54: {  	_ =	shalt  }
0x55: {  	_ =	shalt  }
0x56: {  	_ =	shalt  }
0x57: {  	_ =	shalt  }
0x58: {  	_ =	shalt  }
0x59: {  	_ =	shalt  }
0x5a: {  	_ =	shalt  }
0x5b: {  	_ =	shalt  }
0x5c: {  	_ =	shalt  }
0x5d: {  	_ =	shalt  }
0x5e: {  	_ =	shalt  }
0x5f: {  	_ =	shalt  }
0x60: {  	_ =	shalt  }
0x61: {  	_ =	shalt  }
0x62: {  	_ =	shalt  }
0x63: {  	_ =	shalt  }
0x64: {  	_ =	shalt  }
0x65: {  	_ =	shalt  }
0x66: {  	_ =	shalt  }
0x67: {  	_ =	shalt  }
0x68: {  	_ =	shalt  }
0x69: {  	_ =	shalt  }
0x6a: {  	_ =	shalt  }
0x6b: {  	_ =	shalt  }
0x6c: {  	_ =	shalt  }
0x6d: {  	_ =	shalt  }
0x6e: {  	_ =	shalt  }
0x6f: {  	_ =	shalt  }
0x70: {  	_ =	shalt  }
0x71: {  	_ =	shalt  }
0x72: {  	_ =	shalt  }
0x73: {  	_ =	shalt  }
0x74: {  	_ =	shalt  }
0x75: {  	_ =	shalt  }
0x76: {  	_ =	shalt  }
0x77: {  	_ =	shalt  }
0x78: {  	_ =	shalt  }
0x79: {  	_ =	shalt  }
0x7a: {  	_ =	shalt  }
0x7b: {  	_ =	shalt  }
0x7c: {  	_ =	shalt  }
0x7d: {  	_ =	shalt  }
0x7e: {  	_ =	shalt  }
0x7f: {  	_ =	shalt  }
0x80: {  	_ =	shalt  }
0x81: {  	_ =	shalt  }
0x82: {  	_ =	shalt  }
0x83: {  	_ =	shalt  }
0x84: {  	_ =	shalt  }
0x85: {  	_ =	shalt  }
0x86: {  	_ =	shalt  }
0x87: {  	_ =	shalt  }
.Lfunc_end0:
.L_simem_size_0:
called_computation_lowered:
.L_overlay_start_0:
0x88: {  	s0 =	sld [smem:$0x3FD9]  }
0x89: {  	s1 =	sld [smem:$0x3FFE];
	_ =	sdelay $0x3  }
0x8a: {  	s0 =	sadd.s32 s1, s0  }
0x8b: {  	[smem:$0x3FC6] =	sst s0  }
0x8c: {  	_ = 	snop  }
0x8d: {  	s0 =	sld [smem:$0x3FD0];
	(tm) =	ssettm $0x1  }
0x8e: {  	s16 =	sld [smem:$0x3FFB];
	_ =	sdelay $0x3  }
0x8f: {  	_ =	strace s16  }
0x90: {  	s1 =	sld [smem:$0x3FFC];
	_ =	sdelay $0x3  }
0x91: {  	_ =	strace s1  }
0x92: {  	s1 =	sld [smem:$0x3FFD];
	_ =	sdelay $0x3  }
0x93: {  	_ =	strace s1  }
0x94: {  	_ =	strace $0x8FFFFFFF  }
0x95: {  	s17 =	sld [smem:$0x3FDB];
	_ =	sdelay $0x1  }
0x96: {  	s2 =	simm.s32 $_scs_section_size  }
0x97: {  	s3 =	simm.s32 $_size__tile_overlayer_lowered;
	s4 =	simm.s32 $_tile_overlayer_lowered  }
0x98: {  	s20 =	simm.s32 $0x1BFF;
	s19 =	sshll.u32 s4, $0x1;
	s1 =	sadd.s32 s2, s17  }
0x99: {  	s5 =	simm.s32 $0x0;
	s18 =	sshll.u32 s3, $0x1;
	s3 =	sadd.s32 s19, s1  }
0x9a: {  	[timem:s5], [sflag:s20] =	dma.local [hbm:s3], s18  }
0x9b: {  	_ =	swait.ge [sflag:s20], s18  }
0x9c: {  	s2 =	ssub.s32 $0x0, s18;
	[sflag:s20] =	ssyncset.done $0x0  }
0x9d: {  	[sflag:s20] =	ssyncadd.s32 s2;
	_ =	sdelay $0x1  }
0x9e: {  	s21 =	simm.s32 $0x1B8B  }
0x9f: {  	_ =	swait.ge [sflag:s21], $0x1  }
0xa0: {  	[sflag:s21] =	ssyncset.done $0x0  }
0xa1: {  	s23 =	simm.s32 $0x1B8E;
	s22 =	sld [smem:$0x3FFE];
	[sflag:s21] =	ssyncadd.s32 $0xFFFFFFFF  }
0xa2: {  	s24 =	simm.s32 $execute0_lowered;
	[smem:$0x3FD2] =	sst s23  }
0xa3: {  	s3 =	sshll.u32 s24, $0x1;
	_ =	strace $0x80000046;
	[dreg:$0x1] =	wrdreg $0xFFFFFFFF  }
0xa4: {  	s25 =	simm.s32 $_size_execute0_lowered;
	s1 =	sadd.s32 s1, s3;
	[dreg:$0x0] =	wrdreg $0x0  }
0xa5: {  	s3 =	sshll.u32 s25, $0x1;
	[dreg:$0x2] =	wrdreg s1  }
0xa6: {  	[dreg:$0x3] =	wrdreg s3  }
0xa7: {  	[dreg:$0x4] =	wrdreg $0xC0  }
0xa8: {  	_ =	task [dreg:s5], $0x5FFFF  }
0xa9: {  	[dreg:$0x1] =	wrdreg $0xFFFFFFFF  }
0xaa: {  	[dreg:$0x0] =	wrdreg $0x60  }
0xab: {  	[dreg:$0x2] =	wrdreg s22  }
0xac: {  	[dreg:$0x3] =	wrdreg s0  }
0xad: {  	[dreg:$0x4] =	wrdreg $0x9  }
0xae: {  	_ =	task.clear_ibuf [dreg:s5], $0x5FFFF;
	_ =	strace $0x90000046  }
0xaf: {  	s26 =	simm.s32 $0x9;
	_ =	strace $0x80000048  }
0xb0: {  	_ =	swait.ge [sflag:s26], $0x1  }
0xb1: {  	[sflag:s26] =	ssyncadd.s32 $0xFFFFFFFF  }
0xb2: {  	_ =	strace $0x90000048  }
0xb3: {  	_ =	sfence  }
0xb4: {  	s28 =	sld [smem:$0x0];
	_ =	sdelay $0x1  }
0xb5: {  	s29 =	srdreg.scid  }
0xb6: {  	s30 =	sshll.u32 s29, $0xD;
	s31 =	sshrl.u32 s29, $0x2  }
0xb7: {  	s2 =	sand.u32 $0x4000, s30;
	s1 =	sand.u32 $0x1, s29;
	s0 =	sadd.s32 s31, s28  }
0xb8: {  	s1 =	sor.u32 s2, s1;
	s0 =	sshll.u32 s0, $0x11  }
0xb9: {  	s0 =	sor.u32 s0, s1  }
0xba: {  	s0 =	sadd.s32 $0x8F2B, s0  }
0xbb: {  	[sflag:s0] =	ssyncadd.remote.s32 $0x1  }
0xbc: {  	_ =	sfence.sel $0xFFFF  }
0xbd: {  	[dreg:$0x0] =	wrdreg $0xFFFFFFFF;
	(pc) =	sbr.abs _section_cstart, $3  }
0xbe: {  	[dreg:$0x1] =	wrdreg $0xFFFFFFFF  }
0xbf: {  	_ =	task.clear_ibuf [dreg:s5], $0x2FFFF;
	_ =	strace $0x9FFFFFFF  }
0xc0: {  	(tm) =	ssettm $0x7FFFFFFF  }
0xc1: {  	_ =	shalt  }
tec
execute0_lowered:
.L_overlay_start_1:
0x0: {  	(tag) =	ssettag $0x1  }
0x1: {  	s2 =	rddreg [dreg:$0x0]  }
0x2: {  	s1 =	rddreg [dreg:$0x1];
	s3 =	stileid.u32  }
0x3: {  	s0 =	rddreg [dreg:$0x2];
	_ =	strace $0x80000047;
	p0 =	sne.s32 s3, $0x0  }
0x4: {  	_ =	sfence.sel @p0 $0x180000  }
0x5: {  	[bflag:$0x0] =	sbarrier.arrive @p0 $0xFFFF  }
0x6: {  	_ =	strace @p0 $0x90000047  }
0x7: {  	[bflag:$0x2] =	sbarrier.arrive @p0 $0xFFFF  }
0x8: {  	_ =	shalt @p0  }
.LBB2_1:
0x9: {  	s3 =	sadd.s32 $0x200, s2;
	s2 =	simm.s32 $0x0  }
0xa: {  	v0 =	vimm.f32 $0.0e+00;
	[tilespmem:s2], [sflag:$0x1] =	stream.linear.gather [hbm4b:s3+s2], $0xA00, $0x38;
	[tilespmem:$0xB00] =	vst v63  }
0xb: {  	v3 =	vlaneseq.u32;
	s29 =	simm.s32 $0x140;
	[tilespmem:$0xA00] =	vst v0  }
0xc: {  	v5 =	vor.u32 $0x780, v3;
	v4 =	vor.u32 s29, v3;
	[tilespmem:$0xA10] =	vst v0  }
0xd: {  	[tilespmem:$0xA20] =	vst v0;
	v1 =	vadd.s32 s2, v5;
	vm0 =	vlt.s32 v4, $0x270  }
0xe: {  	s30 =	simm.s32 $0x1;
	[tilespmem:$0xA30] =	vst v0;
	v7 =	vnsel vm0, $0x270, v4  }
0xf: {  	_ =	swait.ge [sflag:s30], $0xA00;
	v2 =	vand.u32 $0x3FF, v7  }
0x10: {  	[sflag:s30] =	ssyncset.done $0x0;
	v2 =	vadd.s32 $0x780, v2  }
0x11: {  	v8 =	vor.u32 s2, v3;
	[sflag:s30] =	ssyncadd.s32 $0xFFFFF600  }
0x12: {  	v6 =	vmulhi.u32 $0x51EB851F, v8;
	v1 =	vld.idx.msk [tilespmem:v1+s2+$0x0], $0xffff;
	_ =	sdelay $0x1  }
0x13: {  	v10 =	vshrl.u32 v6, $0x3  }
0x14: {  	v6 =	vmul.u32 $0xFFFFFFE7, v10;
	v9 =	vld.idx.msk [tilespmem:v2+s2+$0x0], $0xffff;
	_ =	sdelay $0x1  }
0x15: {  	v11 =	vmov s2;
	v6 =	vadd.s32 v8, v6;
	v12 =	vshra.s32 v1, $0x8  }
0x16: {  	vm11 =	veq.s32 v11, v3;
	vm1 =	vne.s32 v6, $0x0;
	v11 =	vadd.s32 $0xE, v12  }
0x17: {  	v14 =	vmulhi.u32 $0x51EB851F, v7;
	vm0 =	vmand vm11, vm1;
	v13 =	vshrl.u32 v11, $0x1C  }
0x18: {  	v2 =	vimm.s32 $0x0;
	v13 =	vadd.s32 v13, v11;
	v15 =	vshra.s32 v9, $0x8  }
0x19: {  	v16 =	vsel vm0, $0xFFFFFFFF, v2;
	v13 =	vshra.s32 v13, $0x4;
	v17 =	vadd.s32 $0xE, v15  }
0x1a: {  	v10 =	vadd.s32 v16, v10;
	v16 =	vshll.u32 v13, $0x4;
	v18 =	vshrl.u32 v17, $0x1C  }
0x1b: {  	vm13 =	vlt.s32 v12, $0xFFFFFFF3;
	vm12 =	vne.s32 v11, v16;
	v12 =	vadd.s32 v18, v17  }
0x1c: {  	v1 =	vand.u32 $0xFF, v1;
	vm0 =	vmand vm13, vm12;
	v16 =	vand.u32 $0xFFFFFFF0, v12  }
0x1d: {  	vm15 =	vlt.s32 v15, $0xFFFFFFF3;
	v63 =	vsel vm0, $0xFFFFFFFF, v2;
	vm14 =	vne.s32 v17, v16  }
0x1e: {  	v1 =	vadd.s32 $0xE, v1;
	v13 =	vadd.s32 v63, v13;
	vm0 =	vmand vm15, vm14  }
0x1f: {  	v12 =	vshra.s32 v12, $0x4;
	v13 =	vmul.u32 $0x5, v13;
	v15 =	vsel vm0, $0xFFFFFFFF, v2  }
0x20: {  	v9 =	vand.u32 $0xFF, v9;
	v16 =	vshrl.u32 v1, $0x4;
	v12 =	vadd.s32 v15, v12  }
0x21: {  	v9 =	vadd.s32 $0xE, v9;
	v13 =	vadd.s32 v16, v13;
	v12 =	vmul.u32 $0x5, v12  }
0x22: {  	v10 =	vmul.u32 $0x4B, v10;
	v15 =	vshrl.u32 v9, $0x4;
	v13 =	vmul.u32 $0x3, v13  }
0x23: {  	v14 =	vshrl.u32 v14, $0x3;
	v12 =	vadd.s32 v15, v12  }
0x24: {  	v10 =	vadd.s32 v10, v13;
	v13 =	vmul.u32 $0x4B, v14;
	v12 =	vmul.u32 $0x3, v12  }
0x25: {  	v14 =	vadd.s32 $0x1, v10  }
0x26: {  	v10 =	vadd.s32 $0x2, v10;
	v12 =	vadd.s32 v13, v12  }
0x27: {  	v13 =	vadd.s32 $0x1, v12  }
0x28: {  	v1 =	vand.u32 $0xF, v1;
	v12 =	vadd.s32 $0x2, v12  }
0x29: {  	v1 =	vcvt.s32.f32 v1  }
0x2a: {  	v14 =	vld.idx.msk [tilespmem:v14+s2+$0x0], $0xffff  }
0x2b: {  	v11 =	vand.u32 $0xF, v11;
	v1 =	vmul.f32 $6.250000000e-02, v1;
	v15 =	vld.idx.msk [tilespmem:v10+s2+$0x0], $0xffff  }
0x2c: {  	v16 =	vand.u32 $0xF, v17;
	v17 =	vand.u32 $0xF, v9;
	v10 =	vcvt.s32.f32 v11;
	v11 =	vld.idx.msk [tilespmem:v13+s2+$0x0], $0xffff  }
0x2d: {  	v9 =	vmul.u32 $0x3, v8;
	v16 =	vcvt.s32.f32 v16;
	v8 =	vcvt.s32.f32 v17;
	v12 =	vld.idx.msk [tilespmem:v12+s2+$0x0], $0xffff  }
0x2e: {  	v13 =	vmulhi.u32 $0x51EB851F, v4;
	v17 =	vmul.f32 $6.250000000e-02, v10  }
0x2f: {  	v16 =	vmul.f32 $6.250000000e-02, v16;
	v8 =	vmul.f32 $6.250000000e-02, v8  }
0x30: {  	v10 =	vmul.u32 $0x3, v7;
	v13 =	vshrl.u32 v13, $0x3;
	v14 =	vsub.f32 v14, v17  }
0x31: {  	s31 =	simm.s32 $0x150;
	v1 =	vsub.f32 v15, v1;
	v15 =	vmul.u32 $0x19, v13;
	v11 =	vsub.f32 v11, v16  }
0x32: {  	v7 =	vor.u32 s31, v3;
	v8 =	vsub.f32 v12, v8;
	v12 =	vmul.f32 v14, v14  }
0x33: {  	v13 =	vmul.f32 v1, v1;
	v1 =	vsub.s32 v4, v15;
	v14 =	vmul.f32 v11, v11  }
0x34: {  	s4 =	simm.s32 $0x10;
	s5 =	simm.s32 $0x20;
	s3 =	simm.s32 $0xA00;
	v15 =	vmul.f32 v8, v8;
	v11 =	vor.u32 $0x20, v1;
	v1 =	vimm.f32 $0.0e+00  }
.LBB2_2:
0x35: {  	p0 =	sne.s32 s5, $0x130;
	v16 =	vadd.s32 s4, v5;
	vm0 =	vlt.s32 v7, $0x270  }
0x36: {  	v12 =	vadd.f32 v12, v13;
	v8 =	vnsel vm0, $0x270, v7;
	v9 =	vld.idx.msk [tilespmem:v9+s2+$0x0], $0xffff;
	v13 =	vadd.f32 v14, v15  }
0x37: {  	vm0 =	vlt.u32 v4, $0x271;
	v4 =	vmov v7;
	v14 =	vand.u32 $0x3FF, v8;
	v10 =	vld.idx.msk [tilespmem:v10+s2+$0x0], $0xffff  }
0x38: {  	v7 =	vadd.s32 $0x780, v14;
	v13 =	vnsel vm0, $0x0, v13;
	[tilespmem:v6+s3+$0x0] =	vst.idx.add.f32.msk $0xffff, v12  }
0x39: {  	[tilespmem:v11+s3+$0x0] =	vst.idx.add.f32.msk $0xffff, v13  }
0x3a: {  	v11 =	vld.idx.msk [tilespmem:v16+s2+$0x0], $0xffff  }
0x3b: {  	v12 =	vor.u32 s4, v3  }
0x3c: {  	v6 =	vmulhi.u32 $0x51EB851F, v12;
	v13 =	vmul.f32 $5.000000000e-01, v9  }
0x3d: {  	v14 =	vmul.f32 $5.000000000e-01, v10;
	v7 =	vld.idx.msk [tilespmem:v7+s2+$0x0], $0xffff  }
0x3e: {  	v15 =	vshrl.u32 v6, $0x3;
	v6 =	vmul.f32 v9, v13  }
0x3f: {  	v9 =	vmul.u32 $0xFFFFFFE7, v15;
	v10 =	vmul.f32 v10, v14  }
0x40: {  	v13 =	vmov s4;
	s4 =	smov.u32 s5;
	v14 =	vshra.s32 v11, $0x8;
	v0 =	vadd.f32 v6, v0  }
0x41: {  	vm1 =	veq.s32 v13, v3;
	v6 =	vadd.s32 v12, v9;
	v9 =	vadd.s32 $0xE, v14  }
0x42: {  	v16 =	vmulhi.u32 $0x51EB851F, v8;
	vm2 =	vne.s32 v6, $0x0;
	v13 =	vshrl.u32 v9, $0x1C  }
0x43: {  	vm1 =	vmand vm1, vm2;
	v13 =	vadd.s32 v13, v9;
	v17 =	vshra.s32 v7, $0x8  }
0x44: {  	v18 =	vsel vm1, $0xFFFFFFFF, v2;
	v13 =	vshra.s32 v13, $0x4;
	v19 =	vadd.s32 $0xE, v17  }
0x45: {  	v15 =	vadd.s32 v18, v15;
	v18 =	vshll.u32 v13, $0x4;
	v20 =	vshrl.u32 v19, $0x1C  }
0x46: {  	vm2 =	vlt.s32 v14, $0xFFFFFFF3;
	vm1 =	vne.s32 v9, v18;
	v14 =	vadd.s32 v20, v19  }
0x47: {  	v11 =	vand.u32 $0xFF, v11;
	vm1 =	vmand vm2, vm1;
	v18 =	vand.u32 $0xFFFFFFF0, v14  }
0x48: {  	vm2 =	vlt.s32 v17, $0xFFFFFFF3;
	v20 =	vsel vm1, $0xFFFFFFFF, v2;
	vm1 =	vne.s32 v19, v18  }
0x49: {  	v11 =	vadd.s32 $0xE, v11;
	v13 =	vadd.s32 v20, v13;
	vm1 =	vmand vm2, vm1  }
0x4a: {  	v14 =	vshra.s32 v14, $0x4;
	v13 =	vmul.u32 $0x5, v13;
	v17 =	vsel vm1, $0xFFFFFFFF, v2  }
0x4b: {  	v7 =	vand.u32 $0xFF, v7;
	v18 =	vshrl.u32 v11, $0x4;
	v14 =	vadd.s32 v17, v14  }
0x4c: {  	v7 =	vadd.s32 $0xE, v7;
	v13 =	vadd.s32 v18, v13;
	v14 =	vmul.u32 $0x5, v14  }
0x4d: {  	v15 =	vmul.u32 $0x4B, v15;
	v17 =	vshrl.u32 v7, $0x4;
	v13 =	vmul.u32 $0x3, v13  }
0x4e: {  	v16 =	vshrl.u32 v16, $0x3;
	v10 =	vnsel vm0, $0x0, v10;
	v14 =	vadd.s32 v17, v14  }
0x4f: {  	v13 =	vadd.s32 v15, v13;
	v15 =	vmul.u32 $0x4B, v16;
	v14 =	vmul.u32 $0x3, v14  }
0x50: {  	v1 =	vadd.f32 v10, v1;
	v16 =	vadd.s32 $0x1, v13  }
0x51: {  	v10 =	vadd.s32 $0x2, v13;
	v13 =	vadd.s32 v15, v14  }
0x52: {  	v14 =	vadd.s32 $0x1, v13  }
0x53: {  	v13 =	vadd.s32 $0x2, v13;
	_ =	sdelay $0x1  }
0x54: {  	v15 =	vld.idx.msk [tilespmem:v16+s2+$0x0], $0xffff  }
0x55: {  	v16 =	vld.idx.msk [tilespmem:v10+s2+$0x0], $0xffff  }
0x56: {  	v9 =	vand.u32 $0xF, v9;
	v14 =	vld.idx.msk [tilespmem:v14+s2+$0x0], $0xffff  }
0x57: {  	v10 =	vcvt.s32.f32 v9;
	v9 =	vand.u32 $0xF, v11;
	v11 =	vld.idx.msk [tilespmem:v13+s2+$0x0], $0xffff;
	v13 =	vmulhi.u32 $0x51EB851F, v4  }
0x58: {  	v7 =	vand.u32 $0xF, v7;
	v18 =	vand.u32 $0xF, v19;
	v17 =	vcvt.s32.f32 v9  }
0x59: {  	v7 =	vcvt.s32.f32 v7;
	v9 =	vmul.u32 $0x3, v12;
	v12 =	vcvt.s32.f32 v18  }
0x5a: {  	v18 =	vmul.f32 $6.250000000e-02, v10;
	v17 =	vmul.f32 $6.250000000e-02, v17;
	v13 =	vshrl.u32 v13, $0x3  }
.Ltmp0:
0x5b: {  	v19 =	vmul.f32 $6.250000000e-02, v7;
	v10 =	vmul.u32 $0x3, v8;
	v12 =	vmul.f32 $6.250000000e-02, v12;
	(pc) =	sbr.rel @p0 .LBB2_2-.Ltmp0, $4  }
0x5c: {  	s6 =	sadd.s32 $0x140, s5;
	v8 =	vsub.f32 v15, v18;
	v15 =	vsub.f32 v16, v17;
	v16 =	vmul.u32 $0x19, v13  }
0x5d: {  	v7 =	vor.u32 s6, v3;
	v14 =	vsub.f32 v14, v12;
	v11 =	vsub.f32 v11, v19  }
0x5e: {  	v12 =	vmul.f32 v8, v8;
	v13 =	vmul.f32 v15, v15;
	v8 =	vsub.s32 v4, v16  }
0x5f: {  	s5 =	sadd.s32 $0x10, s5;
	v14 =	vmul.f32 v14, v14;
	v15 =	vmul.f32 v11, v11;
	v11 =	vor.u32 $0x20, v8  }
0x60: {  	_ =	sdelay $0x2  }
0x61: {  	v5 =	vadd.s32 s4, v5;
	vm0 =	vlt.s32 v7, $0x270  }
0x62: {  	v8 =	vld.idx.msk [tilespmem:v9+s2+$0x0], $0xffff;
	v12 =	vadd.f32 v12, v13;
	v13 =	vadd.f32 v14, v15;
	v14 =	vnsel vm0, $0x270, v7  }
0x63: {  	v9 =	vld.idx.msk [tilespmem:v10+s2+$0x0], $0xffff;
	vm8 =	vlt.u32 v4, $0x271;
	v4 =	vand.u32 $0x3FF, v14  }
0x64: {  	[tilespmem:v6+s3+$0x0] =	vst.idx.add.f32.msk $0xffff, v12;
	v10 =	vnsel vm8, $0x0, v13;
	v4 =	vadd.s32 $0x780, v4  }
0x65: {  	[tilespmem:v11+s3+$0x0] =	vst.idx.add.f32.msk $0xffff, v10  }
0x66: {  	v6 =	vor.u32 s4, v3;
	v5 =	vld.idx.msk [tilespmem:v5+s2+$0x0], $0xffff  }
0x67: {  	v10 =	vmulhi.u32 $0x51EB851F, v6;
	_ =	sdelay $0x1  }
0x68: {  	v10 =	vshrl.u32 v10, $0x3;
	v4 =	vld.idx.msk [tilespmem:v4+s2+$0x0], $0xffff  }
0x69: {  	v11 =	vmul.u32 $0xFFFFFFE7, v10  }
0x6a: {  	v15 =	vmov s4;
	v12 =	vshra.s32 v5, $0x8  }
0x6b: {  	vm0 =	veq.s32 v15, v3;
	v11 =	vadd.s32 v6, v11;
	v13 =	vadd.s32 $0xE, v12  }
0x6c: {  	v63 =	vmulhi.u32 $0x51EB851F, v14;
	vm1 =	vne.s32 v11, $0x0;
	v16 =	vshrl.u32 v13, $0x1C  }
0x6d: {  	vm0 =	vmand vm0, vm1;
	v3 =	vadd.s32 v16, v13;
	v15 =	vshra.s32 v4, $0x8  }
0x6e: {  	v16 =	vsel vm0, $0xFFFFFFFF, v2;
	v3 =	vshra.s32 v3, $0x4;
	v17 =	vadd.s32 $0xE, v15  }
0x6f: {  	v10 =	vadd.s32 v16, v10;
	v18 =	vshll.u32 v3, $0x4;
	v16 =	vshrl.u32 v17, $0x1C  }
0x70: {  	vm1 =	vlt.s32 v12, $0xFFFFFFF3;
	vm0 =	vne.s32 v13, v18;
	v12 =	vadd.s32 v16, v17  }
0x71: {  	v5 =	vand.u32 $0xFF, v5;
	vm0 =	vmand vm1, vm0;
	v16 =	vand.u32 $0xFFFFFFF0, v12  }
0x72: {  	vm1 =	vne.s32 v17, v16;
	v16 =	vsel vm0, $0xFFFFFFFF, v2;
	vm0 =	vlt.s32 v15, $0xFFFFFFF3  }
0x73: {  	v5 =	vadd.s32 $0xE, v5;
	v3 =	vadd.s32 v16, v3;
	vm0 =	vmand vm0, vm1  }
0x74: {  	v12 =	vshra.s32 v12, $0x4;
	v3 =	vmul.u32 $0x5, v3;
	v2 =	vsel vm0, $0xFFFFFFFF, v2  }
0x75: {  	v4 =	vand.u32 $0xFF, v4;
	v15 =	vshrl.u32 v5, $0x4;
	v2 =	vadd.s32 v2, v12  }
0x76: {  	v4 =	vadd.s32 $0xE, v4;
	v3 =	vadd.s32 v15, v3;
	v2 =	vmul.u32 $0x5, v2  }
0x77: {  	v10 =	vmul.u32 $0x4B, v10;
	v12 =	vshrl.u32 v4, $0x4;
	v3 =	vmul.u32 $0x3, v3  }
0x78: {  	v15 =	vshrl.u32 v63, $0x3;
	v2 =	vadd.s32 v12, v2  }
0x79: {  	v3 =	vadd.s32 v10, v3;
	v10 =	vmul.u32 $0x4B, v15;
	v2 =	vmul.u32 $0x3, v2  }
0x7a: {  	v12 =	vadd.s32 $0x1, v3  }
0x7b: {  	v3 =	vadd.s32 $0x2, v3;
	v2 =	vadd.s32 v10, v2  }
0x7c: {  	v10 =	vadd.s32 $0x1, v2  }
0x7d: {  	v2 =	vadd.s32 $0x2, v2  }
0x7e: {  	v13 =	vand.u32 $0xF, v13  }
0x7f: {  	v13 =	vcvt.s32.f32 v13;
	v5 =	vand.u32 $0xF, v5;
	v12 =	vld.idx.msk [tilespmem:v12+s2+$0x0], $0xffff  }
0x80: {  	vm2 =	vcmask $0x704;
	vm3 =	vcmask $0xB08;
	v5 =	vcvt.s32.f32 v5;
	v3 =	vld.idx.msk [tilespmem:v3+s2+$0x0], $0xffff  }
0x81: {  	v16 =	vand.u32 $0xF, v17;
	v13 =	vmul.f32 $6.250000000e-02, v13;
	v4 =	vand.u32 $0xF, v4;
	v10 =	vld.idx.msk [tilespmem:v10+s2+$0x0], $0xffff  }
0x82: {  	v6 =	vmul.u32 $0x3, v6;
	v16 =	vcvt.s32.f32 v16;
	v4 =	vcvt.s32.f32 v4;
	v2 =	vld.idx.msk [tilespmem:v2+s2+$0x0], $0xffff  }
0x83: {  	vm1 =	vcmask $0xF0C;
	v5 =	vmul.f32 $6.250000000e-02, v5;
	v15 =	vmulhi.u32 $0x51EB851F, v7  }
0x84: {  	vm0 =	vcmask $0x300;
	v16 =	vmul.f32 $6.250000000e-02, v16;
	v4 =	vmul.f32 $6.250000000e-02, v4  }
0x85: {  	v15 =	vshrl.u32 v15, $0x3;
	v12 =	vsub.f32 v12, v13;
	v3 =	vsub.f32 v3, v5  }
0x86: {  	v5 =	vmul.u32 $0x19, v15;
	v13 =	vmul.u32 $0x3, v14;
	v14 =	vimm.s32 $0x9D8  }
0x87: {  	v14 =	vsel vm0, $0x910, v14;
	v10 =	vsub.f32 v10, v16;
	v2 =	vsub.f32 v2, v4  }
0x88: {  	v4 =	vmul.f32 v12, v12;
	v3 =	vmul.f32 v3, v3;
	v12 =	vlaneseq.u32  }
0x89: {  	v5 =	vsub.s32 v7, v5;
	v14 =	vsel vm2, $0x929, v14;
	v12 =	vmul.u32 $0x19, v12  }
0x8a: {  	v5 =	vor.u32 $0x20, v5;
	v10 =	vmul.f32 v10, v10;
	v2 =	vmul.f32 v2, v2  }
0x8b: {  	v3 =	vadd.f32 v4, v3;
	v4 =	vadd.s32 $0x780, v12;
	v12 =	vsel vm3, $0x942, v14  }
0x8c: {  	vm4 =	vcmask $0x1310;
	v6 =	vld.idx.msk [tilespmem:v6+s2+$0x0], $0xffff;
	v2 =	vadd.f32 v10, v2;
	v10 =	vsel vm1, $0x95B, v12  }
0x8d: {  	vm9 =	vlt.u32 v7, $0x271;
	vm5 =	vcmask $0x1714;
	v12 =	vld.idx.msk [tilespmem:v13+s2+$0x0], $0xffff;
	v7 =	vsel vm4, $0x974, v10  }
0x8e: {  	vm6 =	vcmask $0x1B18;
	[tilespmem:v11+s3+$0x0] =	vst.idx.add.f32.msk $0xffff, v3;
	v2 =	vnsel vm9, $0x0, v2;
	v3 =	vsel vm5, $0x98D, v7  }
0x8f: {  	vm7 =	vcmask $0x1F1C;
	v7 =	vmul.f32 $5.000000000e-01, v9;
	[tilespmem:v5+s3+$0x0] =	vst.idx.add.f32.msk $0xffff, v2;
	v2 =	vsel vm6, $0x9A6, v3  }
0x90: {  	s2 =	simm.s32 $0x0;
	v5 =	vsel vm7, $0x9BF, v2  }
0x91: {  	v3 =	vld.idx.msk [tilespmem:v4+s2+$0x0], $0xffff;
	v2 =	vmul.f32 $5.000000000e-01, v8;
	v7 =	vmul.f32 v9, v7  }
0x92: {  	v9 =	vmul.f32 $5.000000000e-01, v12  }
0x93: {  	v2 =	vmul.f32 v8, v2;
	v8 =	vmul.f32 $5.000000000e-01, v6;
	v7 =	vnsel vm8, $0x0, v7  }
0x94: {  	s30 =	simm.s32 $0x1;
	v9 =	vmul.f32 v12, v9;
	v1 =	vadd.f32 v7, v1  }
0x95: {  	v12 =	vadd.s32 s30, v4;
	v0 =	vadd.f32 v2, v0;
	v2 =	vmul.f32 v6, v8;
	v8 =	vld.idx.msk [tilespmem:v5+s2+$0x0], $0xffff  }
0x96: {  	v6 =	vshra.s32 v3, $0x8;
	v7 =	vnsel vm9, $0x0, v9;
	v3 =	vand.u32 $0xFE, v3  }
0x97: {  	v9 =	vadd.s32 s30, v5;
	v10 =	vadd.s32 $0xE, v6;
	v0 =	vadd.f32 v2, v0  }
0x98: {  	v3 =	vadd.s32 $0xE, v3;
	vm8 =	vlt.s32 v6, $0xFFFFFFF3;
	v2 =	vshrl.u32 v10, $0x1C  }
0x99: {  	v6 =	vimm.s32 $0x0;
	v2 =	vadd.s32 v2, v10;
	v10 =	vand.u32 $0xF, v10  }
0x9a: {  	v1 =	vadd.f32 v7, v1;
	vm9 =	vne.s32 v10, $0x0;
	v11 =	vshra.s32 v8, $0x8  }
0x9b: {  	v2 =	vshra.s32 v2, $0x4;
	vm8 =	vmand vm8, vm9;
	v10 =	vadd.s32 $0xE, v11  }
0x9c: {  	v9 =	vld.idx.msk [tilespmem:v9+s2+$0x0], $0xffff;
	vm9 =	vlt.s32 v11, $0xFFFFFFF3;
	v13 =	vand.u32 $0xF, v10;
	v14 =	vshrl.u32 v10, $0x1C  }
0x9d: {  	v11 =	vsel vm8, $0xFFFFFFFF, v6;
	vm10 =	vne.s32 v13, $0x0;
	v10 =	vadd.s32 v14, v10  }
0x9e: {  	v2 =	vadd.s32 v11, v2;
	vm8 =	vmand vm9, vm10;
	v11 =	vshra.s32 v10, $0x4;
	v10 =	vld.idx.msk [tilespmem:v12+s2+$0x0], $0xffff  }
0x9f: {  	v8 =	vand.u32 $0xFE, v8;
	v2 =	vmul.u32 $0x5, v2;
	v13 =	vsel vm8, $0xFFFFFFFF, v6  }
0xa0: {  	v3 =	vshrl.u32 v3, $0x4;
	v8 =	vadd.s32 $0xE, v8;
	v11 =	vadd.s32 v13, v11  }
0xa1: {  	v7 =	vadd.s32 v3, v2;
	v3 =	vshra.s32 v9, $0x8;
	v11 =	vmul.u32 $0x5, v11  }
0xa2: {  	v2 =	vshrl.u32 v8, $0x4;
	v13 =	vadd.s32 $0xE, v3  }
0xa3: {  	s31 =	simm.s32 $0x2;
	vm8 =	vlt.s32 v3, $0xFFFFFFF3;
	v8 =	vadd.s32 v2, v11;
	v11 =	vshra.s32 v10, $0x8  }
0xa4: {  	v14 =	vshrl.u32 v13, $0x1C;
	v2 =	vadd.s32 s31, v5;
	v3 =	vadd.s32 $0xE, v11  }
0xa5: {  	v15 =	vand.u32 $0xF, v13;
	v13 =	vadd.s32 v14, v13;
	v14 =	vshrl.u32 v3, $0x1C  }
0xa6: {  	v16 =	vand.u32 $0xF, v3;
	v3 =	vadd.s32 v14, v3  }
0xa7: {  	v12 =	vadd.s32 s31, v4;
	vm9 =	vlt.s32 v11, $0xFFFFFFF3;
	vm10 =	vne.s32 v16, $0x0  }
0xa8: {  	v13 =	vshra.s32 v13, $0x4;
	vm10 =	vmand vm9, vm10  }
0xa9: {  	s3 =	simm.s32 $0x3;
	vm9 =	vne.s32 v15, $0x0;
	v14 =	vshra.s32 v3, $0x4;
	v11 =	vld.idx.msk [tilespmem:v2+s2+$0x0], $0xffff;
	v15 =	vsel vm10, $0xFFFFFFFF, v6;
	v2 =	vmovc v8;
	v3 =	vmovc v7  }
.LBB2_4:
0xaa: {  	p0 =	sne.s32 s3, $0x18;
	v10 =	vand.u32 $0xFE, v10;
	v14 =	vadd.s32 v15, v14;
	vm8 =	vmand vm8, vm9  }
0xab: {  	v15 =	vadd.s32 $0xE, v10;
	v14 =	vmul.u32 $0x5, v14;
	v16 =	vsel vm8, $0xFFFFFFFF, v6  }
0xac: {  	v9 =	vand.u32 $0xFE, v9;
	v10 =	vld.idx.msk [tilespmem:v12+s2+$0x0], $0xffff;
	v12 =	vshrl.u32 v15, $0x4;
	v13 =	vadd.s32 v16, v13  }
0xad: {  	v17 =	vadd.s32 $0xE, v9;
	v12 =	vadd.s32 v12, v14;
	v13 =	vmul.u32 $0x5, v13  }
0xae: {  	v16 =	vshrl.u32 v17, $0x4;
	v14 =	vadd.s32 s3, v5;
	vm8 =	vlt.s32 v7, v12  }
0xaf: {  	v15 =	vshra.s32 v11, $0x8;
	v9 =	vmovc v11;
	v13 =	vadd.s32 v16, v13;
	v7 =	vsel vm8, v7, v12  }
0xb0: {  	vm8 =	vgt.s32 v3, v12;
	vm9 =	vlt.s32 v8, v13;
	vm10 =	vgt.s32 v2, v13  }
0xb1: {  	v3 =	vsel vm8, v3, v12;
	v8 =	vsel vm9, v8, v13;
	v2 =	vsel vm10, v2, v13  }
0xb2: {  	vm8 =	vlt.s32 v15, $0xFFFFFFF3;
	v11 =	vshra.s32 v10, $0x8;
	v13 =	vadd.s32 $0xE, v15  }
.Ltmp1:
0xb3: {  	v15 =	vadd.s32 $0xE, v11;
	v16 =	vshrl.u32 v13, $0x1C;
	v17 =	vand.u32 $0xF, v13;
	(pc) =	sbr.rel @p0 .LBB2_4-.Ltmp1, $4  }
0xb4: {  	v12 =	vadd.s32 s3, v4;
	v18 =	vand.u32 $0xF, v15;
	v13 =	vadd.s32 v16, v13  }
0xb5: {  	vm9 =	vlt.s32 v11, $0xFFFFFFF3;
	v16 =	vshrl.u32 v15, $0x1C;
	vm10 =	vne.s32 v18, $0x0  }
0xb6: {  	v15 =	vadd.s32 v16, v15;
	vm10 =	vmand vm9, vm10;
	vm9 =	vne.s32 v17, $0x0  }
0xb7: {  	s3 =	sadd.s32 $0x1, s3;
	v13 =	vshra.s32 v13, $0x4;
	v11 =	vld.idx.msk [tilespmem:v14+s2+$0x0], $0xffff;
	v14 =	vshra.s32 v15, $0x4;
	v15 =	vsel vm10, $0xFFFFFFFF, v6  }
0xb8: {  	vm8 =	vmand vm8, vm9;
	v4 =	vand.u32 $0xFE, v10;
	v5 =	vadd.s32 v15, v14  }
0xb9: {  	v9 =	vand.u32 $0xFE, v9;
	v32 =	vlaneseq.u32;
	v37 =	vimm.s32 $0x9F0  }
0xba: {  	v38 =	vimm.s32 $0x709;
	v39 =	vimm.s32 $0x70A;
	v60 =	vsel vm8, $0xFFFFFFFF, v6  }
0xbb: {  	v4 =	vadd.s32 $0xE, v4;
	v5 =	vmul.u32 $0x5, v5;
	v9 =	vadd.s32 $0xE, v9  }
0xbc: {  	v12 =	vld.idx.msk [tilespmem:v12+s2+$0x0], $0xffff;
	v33 =	vmul.u32 $0x4B, v32;
	v15 =	vsel vm0, $0x928, v37;
	v10 =	vadd.s32 v60, v13  }
0xbd: {  	v4 =	vshrl.u32 v4, $0x4;
	v9 =	vshrl.u32 v9, $0x4;
	v15 =	vsel vm2, $0x941, v15  }
0xbe: {  	v10 =	vmul.u32 $0x5, v10;
	v5 =	vadd.s32 v4, v5;
	v35 =	vadd.s32 $0x1, v33  }
0xbf: {  	v36 =	vadd.s32 $0x2, v33;
	v15 =	vsel vm3, $0x95A, v15;
	vm13 =	vlt.s32 v7, v5  }
0xc0: {  	v62 =	vshra.s32 v11, $0x8;
	v27 =	vand.u32 $0xFE, v11;
	v15 =	vsel vm1, $0x973, v15  }
0xc1: {  	v61 =	vadd.s32 v9, v10;
	v7 =	vsel vm13, v7, v5;
	v63 =	vshra.s32 v12, $0x8  }
0xc2: {  	v20 =	vadd.s32 $0xE, v62;
	vm15 =	vlt.s32 v62, $0xFFFFFFF3;
	v12 =	vand.u32 $0xFE, v12  }
0xc3: {  	v11 =	vadd.s32 $0xE, v27;
	v15 =	vsel vm4, $0x98C, v15;
	vm14 =	vlt.s32 v8, v61  }
0xc4: {  	v21 =	vadd.s32 $0xE, v63;
	v22 =	vshrl.u32 v20, $0x1C;
	v23 =	vand.u32 $0xF, v20  }
0xc5: {  	vm12 =	vlt.s32 v63, $0xFFFFFFF3;
	v12 =	vadd.s32 $0xE, v12;
	v31 =	vshrl.u32 v11, $0x4  }
0xc6: {  	v15 =	vsel vm5, $0x9A5, v15;
	v8 =	vsel vm14, v8, v61;
	v16 =	vand.u32 $0xF, v21  }
0xc7: {  	v17 =	vshrl.u32 v21, $0x1C;
	v24 =	vadd.s32 v22, v20;
	vm13 =	vne.s32 v23, $0x0  }
0xc8: {  	v28 =	vshrl.u32 v12, $0x4;
	v15 =	vsel vm6, $0x9BE, v15;
	vm10 =	vne.s32 v16, $0x0  }
0xc9: {  	v9 =	vadd.s32 v17, v21;
	v10 =	vshra.s32 v24, $0x4;
	vm8 =	vmand vm15, vm13  }
0xca: {  	v16 =	vsel vm0, $0x4B1, v38;
	v17 =	vsel vm0, $0x4B2, v39;
	vm9 =	vmand vm12, vm10  }
0xcb: {  	v15 =	vsel vm7, $0x9D7, v15;
	v9 =	vshra.s32 v9, $0x4;
	v25 =	vsel vm9, $0xFFFFFFFF, v6  }
0xcc: {  	v26 =	vsel vm8, $0xFFFFFFFF, v6;
	v16 =	vsel vm2, $0x4FC, v16;
	v9 =	vadd.s32 v25, v9  }
0xcd: {  	v17 =	vsel vm2, $0x4FD, v17;
	v6 =	vadd.s32 v26, v10;
	v9 =	vmul.u32 $0x5, v9  }
0xce: {  	v10 =	vmul.u32 $0x19, v32;
	v16 =	vsel vm3, $0x547, v16;
	v17 =	vsel vm3, $0x548, v17  }
0xcf: {  	v29 =	vmul.u32 $0x5, v6;
	v16 =	vsel vm1, $0x592, v16;
	v30 =	vadd.s32 v28, v9  }
0xd0: {  	v17 =	vsel vm1, $0x593, v17;
	v10 =	vadd.s32 $0x798, v10;
	vm14 =	vlt.s32 v7, v30  }
0xd1: {  	v16 =	vsel vm4, $0x5DD, v16;
	v9 =	vadd.s32 v31, v29;
	v7 =	vsel vm14, v7, v30  }
0xd2: {  	v17 =	vsel vm4, $0x5DE, v17;
	vm15 =	vlt.s32 v8, v9;
	v34 =	vmul.u32 $0x3, v7  }
0xd3: {  	v16 =	vsel vm5, $0x628, v16;
	v17 =	vsel vm5, $0x629, v17;
	v8 =	vsel vm15, v8, v9  }
0xd4: {  	v16 =	vsel vm6, $0x673, v16;
	v18 =	vmul.u32 $0x3, v8;
	v13 =	vadd.s32 v35, v34  }
0xd5: {  	s29 =	simm.s32 $0x0;
	v17 =	vsel vm6, $0x674, v17;
	v16 =	vsel vm7, $0x6BE, v16;
	v14 =	vadd.s32 v36, v34  }
0xd6: {  	v15 =	vld.idx.msk [tilespmem:v15+s29+$0x0], $0xffff;
	v17 =	vsel vm7, $0x6BF, v17;
	v16 =	vadd.s32 v16, v18  }
0xd7: {  	v10 =	vld.idx.msk [tilespmem:v10+s29+$0x0], $0xffff;
	v17 =	vadd.s32 v17, v18;
	_ =	sdelay $0x1  }
0xd8: {  	v13 =	vld.idx.msk [tilespmem:v13+s29+$0x0], $0xffff  }
0xd9: {  	v14 =	vld.idx.msk [tilespmem:v14+s29+$0x0], $0xffff  }
0xda: {  	v42 =	vimm.s32 $0x708;
	v20 =	vshrl.u32 v15, $0x8;
	v16 =	vld.idx.msk [tilespmem:v16+s29+$0x0], $0xffff  }
0xdb: {  	v20 =	vadd.s32 $0xE, v20;
	v19 =	vshrl.u32 v10, $0x8;
	v10 =	vadd.s32 $0xE, v10;
	v17 =	vld.idx.msk [tilespmem:v17+s29+$0x0], $0xffff  }
0xdc: {  	v40 =	vand.u32 $0xF, v20;
	v19 =	vadd.s32 $0xE, v19;
	v10 =	vand.u32 $0xF, v10  }
0xdd: {  	v41 =	vcvt.s32.f32 v40;
	v19 =	vand.u32 $0xF, v19;
	v10 =	vcvt.s32.f32 v10  }
0xde: {  	v15 =	vadd.s32 $0xE, v15;
	v19 =	vcvt.s32.f32 v19;
	v13 =	vmul.f32 $1.600000000e+01, v13  }
0xdf: {  	v15 =	vand.u32 $0xF, v15;
	v14 =	vmul.f32 $1.600000000e+01, v14;
	v16 =	vmul.f32 $1.600000000e+01, v16  }
0xe0: {  	v15 =	vcvt.s32.f32 v15;
	v17 =	vmul.f32 $1.600000000e+01, v17;
	v13 =	vsub.f32 v13, v19  }
0xe1: {  	v10 =	vsub.f32 v14, v10;
	v14 =	vsub.f32 v16, v41;
	v16 =	vsel vm0, $0x4B0, v42  }
0xe2: {  	v15 =	vsub.f32 v17, v15;
	v16 =	vsel vm2, $0x4FB, v16  }
0xe3: {  	v13 =	vand.u32 $0x7FFFFFFF, v13;
	v10 =	vand.u32 $0x7FFFFFFF, v10;
	v14 =	vand.u32 $0x7FFFFFFF, v14  }
0xe4: {  	v15 =	vand.u32 $0x7FFFFFFF, v15;
	v43 =	vadd.f32 $2.800000000e+01, v13;
	v44 =	vadd.f32 $2.800000000e+01, v10  }
0xe5: {  	v16 =	vsel vm3, $0x546, v16;
	v45 =	vadd.f32 $2.800000000e+01, v14;
	v21 =	vadd.f32 $2.800000000e+01, v15  }
0xe6: {  	v16 =	vsel vm1, $0x591, v16;
	v17 =	vmul.f32 v43, v44  }
0xe7: {  	v16 =	vsel vm4, $0x5DC, v16;
	v46 =	vmul.f32 v45, v21  }
0xe8: {  	v16 =	vsel vm5, $0x627, v16;
	(erf) = vrcp.f32 v17  }
0xe9: {  	v16 =	vsel vm6, $0x672, v16;
	(erf) = vrcp.f32 v46  }
0xea: {  	v16 =	vsel vm7, $0x6BD, v16  }
0xeb: {  	v16 =	vadd.s32 v16, v18  }
0xec: {  	v11 =	vadd.s32 v33, v34;
	v47 =	vadd.f32 v14, v14;
	v48 =	vadd.f32 v15, v15  }
0xed: {  	v13 =	vadd.f32 v13, v13;
	v10 =	vadd.f32 v10, v10  }
0xee: {  	v12 =	vsub.f32 $2.800000000e+01, v47;
	v14 =	vsub.f32 $2.800000000e+01, v48  }
0xef: {  	v13 =	vsub.f32 $2.800000000e+01, v13;
	v10 =	vsub.f32 $2.800000000e+01, v10  }
0xf0: {  	v12 =	vmax.f32 v12, $0.0e+00;
	v14 =	vmax.f32 v14, $0.0e+00;
	v49 =	vld.idx.msk [tilespmem:v16+s29+$0x0], $0xffff  }
0xf1: {  	v11 =	vld.idx.msk [tilespmem:v11+s29+$0x0], $0xffff;
	v13 =	vmax.f32 v13, $0.0e+00;
	v10 =	vmax.f32 v10, $0.0e+00;
	v12 =	vmul.f32 v12, v14;
	v50 =	vpop (erf)  }
0xf2: {  	v10 =	vmul.f32 v13, v10;
	v51 =	vpop (erf)  }
0xf3: {  	v12 =	vmul.f32 v12, v51  }
0xf4: {  	vm11 =	vgt.s32 v3, v5;
	v10 =	vmul.f32 v10, v50  }
0xf5: {  	v3 =	vsel vm11, v3, v5;
	v52 =	vmul.f32 $-5.000000000e-01, v49;
	v12 =	vsub.f32 v49, v12  }
0xf6: {  	vm12 =	vgt.s32 v2, v61;
	v54 =	vmul.f32 $-5.000000000e-01, v11;
	v53 =	vsub.f32 v11, v10  }
0xf7: {  	v2 =	vsel vm12, v2, v61;
	v56 =	vmul.f32 v49, v52;
	v55 =	vmul.f32 v12, v12  }
0xf8: {  	vm13 =	vgt.s32 v2, v9;
	v10 =	vmul.f32 v11, v54;
	v5 =	vmul.f32 v53, v53  }
0xf9: {  	vm14 =	vgt.s32 v3, v30;
	v2 =	vsel vm13, v2, v9;
	v4 =	vadd.f32 v56, v55  }
0xfa: {  	v3 =	vsel vm14, v3, v30;
	vm0 =	veq.s32 v8, v2;
	v5 =	vadd.f32 v10, v5  }
0xfb: {  	vm15 =	vmmov $0x1ff;
	vm1 =	veq.s32 v7, v3;
	v2 =	vnsel vm0, $0x0, v4  }
0xfc: {  	v0 =	vadd.f32 v1, v0;
	v57 =	vnsel vm1, $0x0, v5;
	v2 =	vnsel vm15, $0x0, v2  }
0xfd: {  	v1 =	vadd.f32 v2, v57  }
0xfe: {  	(xrf2) =	vadd.scan.msk.f32 $0xffff, v0  }
0xff: {  	(xrf2) =	vadd.scan.msk.f32 $0xffff, v1;
	_ =	sdelay $0x8  }
0x100: {  	v0, _, _ =	vpop (xrf2)  }
0x101: {  	(v2sf) =	vpush v0, $0xF;
	v58, _, _ =	vpop (xrf2)  }
0x102: {  	(v2sf) =	vpush v58, $0xF;
	_ =	sdelay $0x8  }
0x103: {  	v59 =	vld [tilespmem:$0xA00]  }
0x104: {  	v60 =	vld [tilespmem:$0xA20]  }
0x105: {  	v62 =	vld [tilespmem:$0xA30]  }
0x106: {  	v61 =	vld [tilespmem:$0xA10];
	_ =	sdelay $0x1  }
0x107: {  	s3 =	spop (v2sf)  }
0x108: {  	s4 =	spop (v2sf)  }
0x109: {  	v0 =	vadd.f32 v60, v59;
	s3 =	sadd.f32 s4, s3  }
0x10a: {  	v63 =	vadd.f32 v62, v61  }
0x10b: {  	v0 =	vmul.f32 $2.000000030e-01, v0;
	s3 =	smul.f32 $1.599999960e-03, s3  }
0x10c: {  	v1 =	vmul.f32 $2.000000030e-01, v63  }
0x10d: {  	v0 =	vadd.f32 s3, v0  }
0x10e: {  	v1 =	vadd.f32 s3, v1  }
0x10f: {  	[tilespmem:$0xA80] =	vst v0  }
0x110: {  	s30 =	simm.s32 $0xA80;
	s31 =	simm.s32 $0x2;
	[tilespmem:$0xA90] =	vst v1  }
0x111: {  	[hbm4b:s1+s29] =	stream.linear.scatter [tilespmem:s30], [sflag:$0x2], $0x80, $0x38;
	[tilespmem:$0xB00] =	vst v63  }
0x112: {  	_ =	swait.ge [sflag:s31], $0x80  }
0x113: {  	[sflag:s31] =	ssyncset.done $0x0  }
0x114: {  	[sflag:s31] =	ssyncadd.s32 $0xFFFFFF80  }
0x115: {  	_ =	sfence.sel $0x180000  }
0x116: {  	[bflag:$0x0] =	sbarrier.arrive $0xFFFF  }
0x117: {  	_ =	strace $0x90000047  }
0x118: {  	s0 =	sadd.s32 $0x100000, s0;
	[bflag:$0x2] =	sbarrier.arrive $0xFFFF  }
0x119: {  	[sflag:s0] =	ssyncadd.tile.s32 $0x1;
	_ =	shalt  }
.Lfunc_end2:
_tile_overlayer_lowered:
.L_overlay_start_2:
0x11a: {  	(tag) =	ssettag $0x2  }
0x11b: {  	s0 =	rddreg [dreg:$0x0];
	s2 =	stileid.u32  }
0x11c: {  	s1 =	rddreg [dreg:$0x1];
	p0 =	sne.s32 s2, $0x0  }
0x11d: {  	s3 =	rddreg [dreg:$0x2];
	[bflag:$0x3] =	sbarrier.arrive $0xFFFF;
	s2 =	simm.s32 @!p0 $0x1C02  }
0x11e: {  	[timem:s3], [sflag:s2] =	dma.local @!p0 [hbm:s0], s1  }
0x11f: {  	s0 =	simm.s32 @!p0 $0x2  }
0x120: {  	_ =	swait.ge @!p0 [sflag:s0], s1  }
0x121: {  	s1 =	ssub.s32 @!p0 $0x0, s1;
	[sflag:s0] =	ssyncset.done @!p0 $0x0  }
0x122: {  	[sflag:s0] =	ssyncadd.s32 @!p0 s1  }
0x123: {  	[bflag:$0x3] =	sbarrier.arrive $0xFFFF  }
0x124: {  	_ =	shalt  }

</sc_bundles>
